<compile_context>
chip_gen: v7x
topology: tpu7x:2x2x1
jax: 0.10.2.dev20260603
libtpu: 0.0.44.dev20260713+nightly
codegen_flags: <defaults>
</compile_context>

<pallas_src>
import jax
import jax.numpy as jnp
import numpy as np
from jax import lax
from jax.experimental import pallas as pl
from jax.experimental.pallas import tpu as pltpu
from jax.experimental.pallas import tpu_sc as plsc

N_U = 5000
N_I = 5000
E = 160000
D = 256
NSUB = 16
CR = 5376
CC = 5120
PW = CC // 4
RT = 96
NSLOT = CR // RT
NPASS = 2
CHK = 800
NCHK = E // CHK
GPC = CHK // 16

_Z = np.int32(0)
_MESH = plsc.VectorSubcoreMesh(core_axis_name="c", subcore_axis_name="s")
_NLP = pltpu.CompilerParams(needs_layout_passes=False)


def _cbuild_body(dsts, wcols, vals, z24, cout,
                 d0, w0b, v0, d1, w1b, v1, acc, sem0, sem1):
    c = lax.axis_index("c").astype(jnp.int32)
    s = lax.axis_index("s").astype(jnp.int32)
    w = s * jnp.int32(2) + c

    def load(g, db, wb, vb, sm):
        off = pl.multiple_of(g * jnp.int32(CHK), CHK)
        pltpu.async_copy(dsts.at[pl.ds(off, CHK)], db, sm)
        pltpu.async_copy(wcols.at[pl.ds(off, CHK)], wb, sm)
        pltpu.async_copy(vals.at[pl.ds(off, CHK)], vb, sm)

    def drain(db, wb, vb, sm):
        pltpu.make_async_copy(dsts.at[pl.ds(jnp.int32(0), CHK)], db, sm).wait()
        pltpu.make_async_copy(wcols.at[pl.ds(jnp.int32(0), CHK)], wb, sm).wait()
        pltpu.make_async_copy(vals.at[pl.ds(jnp.int32(0), CHK)], vb, sm).wait()

    def pass_body(p, carry):
        slot = p * jnp.int32(32) + w

        @pl.when(slot < jnp.int32(NSLOT))
        def _():
            row0 = slot * jnp.int32(RT)
            pltpu.sync_copy(z24, acc)
            row0v = jnp.zeros((16,), jnp.int32) + row0

            def process(db, wb, vb):
                def grp(j, cc2):
                    sl = pl.ds(j * jnp.int32(16), 16)
                    dv = db[sl]
                    lr = dv - row0v
                    mask = (lr >= 0) & (lr < jnp.int32(RT))
                    plsc.addupdate_scatter(acc, [lr, wb[sl]], vb[sl],
                                           mask=mask)
                    return cc2

                lax.fori_loop(jnp.int32(0), jnp.int32(GPC), grp, jnp.int32(0))

            load(jnp.int32(0), d0, w0b, v0, sem0)

            def two(gg, cc2):
                g0 = gg * jnp.int32(2)
                load(g0 + jnp.int32(1), d1, w1b, v1, sem1)
                drain(d0, w0b, v0, sem0)
                process(d0, w0b, v0)

                @pl.when(gg < jnp.int32(NCHK // 2 - 1))
                def _():
                    load(g0 + jnp.int32(2), d0, w0b, v0, sem0)

                drain(d1, w1b, v1, sem1)
                process(d1, w1b, v1)
                return cc2

            lax.fori_loop(jnp.int32(0), jnp.int32(NCHK // 2), two, jnp.int32(0))
            wout = pl.multiple_of(slot * jnp.int32(RT), 8)
            pltpu.sync_copy(acc, cout.at[pl.ds(wout, RT)])
        return carry

    lax.fori_loop(jnp.int32(0), jnp.int32(NPASS), pass_body, jnp.int32(0))


_cbuild = pl.kernel(
    _cbuild_body,
    out_type=jax.ShapeDtypeStruct((CR, PW), jnp.int32),
    mesh=_MESH,
    compiler_params=_NLP,
    scratch_types=[
        pltpu.VMEM((CHK,), jnp.int32),
        pltpu.VMEM((CHK,), jnp.int32),
        pltpu.VMEM((CHK,), jnp.int32),
        pltpu.VMEM((CHK,), jnp.int32),
        pltpu.VMEM((CHK,), jnp.int32),
        pltpu.VMEM((CHK,), jnp.int32),
        pltpu.VMEM((RT, PW), jnp.int32),
        pltpu.SemaphoreType.DMA,
        pltpu.SemaphoreType.DMA,
    ],
)


def _mm_n_kern(c_ref, x_ref, o_ref):
    cp = c_ref[:]
    cb = jnp.concatenate(
        [((cp >> (8 * k)) & 0xFF).astype(jnp.bfloat16) for k in range(4)],
        axis=1)
    o_ref[:] = jnp.dot(cb, x_ref[:], preferred_element_type=jnp.float32)


def _mm_t_kern(c_ref, x_ref, o_ref):
    plane = (pl.program_id(0) // (PW // _BMT)).astype(jnp.int32)
    cb = ((c_ref[:] >> (8 * plane)) & 0xFF).astype(jnp.bfloat16)
    o_ref[:] = lax.dot_general(cb, x_ref[:],
                               dimension_numbers=(((0,), (0,)), ((), ())),
                               preferred_element_type=jnp.float32)


_BMN = 384
_BMT = 256


def _make_mm_n(n):
    return pl.pallas_call(
        _mm_n_kern,
        grid=(CR // _BMN,),
        in_specs=[pl.BlockSpec((_BMN, PW), lambda i: (i, _Z)),
                  pl.BlockSpec((CC, n), lambda i: (_Z, _Z))],
        out_specs=pl.BlockSpec((_BMN, n), lambda i: (i, _Z)),
        out_shape=jax.ShapeDtypeStruct((CR, n), jnp.float32),
    )


def _make_mm_t(n):
    return pl.pallas_call(
        _mm_t_kern,
        grid=(CC // _BMT,),
        in_specs=[pl.BlockSpec((CR, _BMT), lambda i: (_Z, i % (PW // _BMT))),
                  pl.BlockSpec((CR, n), lambda i: (_Z, _Z))],
        out_specs=pl.BlockSpec((_BMT, n), lambda i: (i, _Z)),
        out_shape=jax.ShapeDtypeStruct((CC, n), jnp.float32),
    )


_mm_n384 = _make_mm_n(384)
_mm_t384 = _make_mm_t(384)
_mm_n256 = _make_mm_n(256)
_mm_t256 = _make_mm_t(256)


def _layer_kern(x_ref, s_ref, c_ref, wa_ref, wb_ref, b_ref, o_ref):
    inv = 1.0 / jnp.maximum(c_ref[:, 0:1], 1.0)
    h = s_ref[:] * inv
    y = jnp.dot(x_ref[:], wa_ref[:], preferred_element_type=jnp.float32)
    y = y + jnp.dot(h, wb_ref[:], preferred_element_type=jnp.float32)
    o_ref[:] = jnp.maximum(y + b_ref[:], 0.0)


def _proj_kern(x_ref, s_ref, c_ref, wa_ref, wb_ref, b_ref, wp_ref, pb_ref,
               o_ref):
    inv = 1.0 / jnp.maximum(c_ref[:, 0:1], 1.0)
    h = s_ref[:] * inv
    y = jnp.dot(x_ref[:], wa_ref[:], preferred_element_type=jnp.float32)
    y = y + jnp.dot(h, wb_ref[:], preferred_element_type=jnp.float32)
    y = y + b_ref[:]
    o_ref[:] = jnp.dot(y, wp_ref[:], preferred_element_type=jnp.float32) + pb_ref[:]


_BN = 1000


def _node_specs():
    return [
        pl.BlockSpec((_BN, D), lambda i: (i, _Z)),
        pl.BlockSpec((_BN, D), lambda i: (i, _Z)),
        pl.BlockSpec((_BN, 16), lambda i: (i, _Z)),
        pl.BlockSpec((D, D), lambda i: (_Z, _Z)),
        pl.BlockSpec((D, D), lambda i: (_Z, _Z)),
        pl.BlockSpec((1, D), lambda i: (_Z, _Z)),
    ]


_layer = pl.pallas_call(
    _layer_kern,
    grid=(N_U // _BN,),
    in_specs=_node_specs(),
    out_specs=pl.BlockSpec((_BN, D), lambda i: (i, _Z)),
    out_shape=jax.ShapeDtypeStruct((N_U, D), jnp.float32),
)

_proj = pl.pallas_call(
    _proj_kern,
    grid=(N_U // _BN,),
    in_specs=_node_specs() + [
        pl.BlockSpec((D, 16), lambda i: (_Z, _Z)),
        pl.BlockSpec((1, 16), lambda i: (_Z, _Z)),
    ],
    out_specs=pl.BlockSpec((_BN, 16), lambda i: (i, _Z)),
    out_shape=jax.ShapeDtypeStruct((N_U, 16), jnp.float32),
)


KP = 256
NCHP = E // KP
NPT = 4 * CC


def _pred_body(ptab, srcs, dsts, out, tab_v, si_v, di_v, ob_v, sem):
    c = lax.axis_index("c").astype(jnp.int32)
    s = lax.axis_index("s").astype(jnp.int32)
    w = s * jnp.int32(2) + c
    pltpu.sync_copy(ptab, tab_v)

    def step(i, carry):
        q = i * jnp.int32(2 * NSUB) + w

        @pl.when(q < jnp.int32(NCHP))
        def _():
            _pred_chunk(q, tab_v, si_v, di_v, ob_v, srcs, dsts, out, sem)
        return carry

    lax.fori_loop(jnp.int32(0), jnp.int32((NCHP + 2 * NSUB - 1) // (2 * NSUB)),
                  step, jnp.int32(0))


def _pred_chunk(q, tab_v, si_v, di_v, ob_v, srcs, dsts, out, sem):
    off = pl.multiple_of(q * jnp.int32(KP), KP)
    d1 = pltpu.async_copy(srcs.at[pl.ds(off, KP)], si_v, sem)
    d2 = pltpu.async_copy(dsts.at[pl.ds(off, KP)], di_v, sem)
    d1.wait()
    d2.wait()

    def inner(j, carry2):
        sv = si_v[pl.ds(j * jnp.int32(16), 16)]
        dv = di_v[pl.ds(j * jnp.int32(16), 16)]
        l0 = (plsc.load_gather(tab_v, [sv])
              + plsc.load_gather(tab_v, [dv + jnp.int32(2 * CC)]))
        l1 = (plsc.load_gather(tab_v, [sv + jnp.int32(CC)])
              + plsc.load_gather(tab_v, [dv + jnp.int32(3 * CC)]))
        m = jnp.maximum(l0, l1)
        e0 = jnp.exp(l0 - m)
        e1 = jnp.exp(l1 - m)
        t = e0 + e1
        jj = j * jnp.int32(32) + lax.iota(jnp.int32, 16) * jnp.int32(2)
        plsc.store_scatter(ob_v, [jj], e0 / t)
        plsc.store_scatter(ob_v, [jj + jnp.int32(1)], e1 / t)
        return carry2

    lax.fori_loop(jnp.int32(0), jnp.int32(KP // 16), inner, jnp.int32(0))
    pltpu.sync_copy(ob_v, out.at[pl.ds(off * 2, 2 * KP)])


_pred = pl.kernel(
    _pred_body,
    out_type=jax.ShapeDtypeStruct((2 * E,), jnp.float32),
    mesh=_MESH,
    compiler_params=_NLP,
    scratch_types=[
        pltpu.VMEM((NPT,), jnp.float32),
        pltpu.VMEM((KP,), jnp.int32),
        pltpu.VMEM((KP,), jnp.int32),
        pltpu.VMEM((2 * KP,), jnp.float32),
        pltpu.SemaphoreType.DMA,
    ],
)


def _pad_rows(x, rows):
    return jnp.pad(x, ((0, rows - x.shape[0]), (0, 0)))


def kernel(user_feat, item_feat, edge_index, W2, b2, W3, b3, W4, b4, W5, b5,
           Wp, bp):
    src = edge_index[0].astype(jnp.int32)
    dst = edge_index[1].astype(jnp.int32)
    z24 = jnp.zeros((RT, PW), jnp.int32)

    wcol = src % PW
    val = jnp.left_shift(jnp.int32(1), (src // PW) * 8)
    cm_packed = _cbuild(dst, wcol, val, z24)

    ones_u = jnp.ones((N_U, 128), jnp.float32)
    xu_aug = _pad_rows(jnp.concatenate([user_feat, ones_u], axis=1), CC)
    xi_aug = _pad_rows(jnp.concatenate([item_feat, ones_u], axis=1), CR)
    si = _mm_n384(cm_packed, xu_aug.astype(jnp.bfloat16))
    su = _mm_t384(cm_packed, xi_aug.astype(jnp.bfloat16))
    sums_i = si[:N_I, :D]
    cnt_i = si[:N_I, D:D + 16]
    sums_u = su[:N_U, :D]
    cnt_u = su[:N_U, D:D + 16]

    u1 = _layer(user_feat, sums_u, cnt_u, W2[:D], W2[D:], b2.reshape(1, D))
    i1 = _layer(item_feat, sums_i, cnt_i, W3[:D], W3[D:], b3.reshape(1, D))

    si2 = _mm_n256(cm_packed, _pad_rows(u1, CC).astype(jnp.bfloat16))
    su2 = _mm_t256(cm_packed, _pad_rows(i1, CR).astype(jnp.bfloat16))

    wpa = jnp.pad(Wp[:D], ((0, 0), (0, 14)))
    wpb = jnp.pad(Wp[D:], ((0, 0), (0, 14)))
    bpu = jnp.pad(bp, (0, 14)).reshape(1, 16)
    zb = jnp.zeros((1, 16), jnp.float32)
    pu = _proj(u1, su2[:N_U], cnt_u, W4[:D], W4[D:], b4.reshape(1, D), wpa, bpu)
    pi = _proj(i1, si2[:N_I], cnt_i, W5[:D], W5[D:], b5.reshape(1, D), wpb, zb)

    pad = (0, CC - N_U)
    ptab = jnp.concatenate([
        jnp.pad(pu[:, 0], pad), jnp.pad(pu[:, 1], pad),
        jnp.pad(pi[:, 0], pad), jnp.pad(pi[:, 1], pad)])
    flat = _pred(ptab, src, dst)
    return flat.reshape(E, 2)

# --- scband reference (transcript-rebuilt; emitter-appended) ---
"""Pipeline reference for scband-graph-sage-61495341744587 (READ-ONLY COPY).

The authoritative reference and input builder live on the scoring server;
editing this copy changes nothing except your own understanding.
"""

import jax, jax.numpy as jnp
import numpy as np
jax.config.update("jax_enable_x64", True)

N_USER = 5000
N_ITEM = 5000
N_EDGES = 160000
D = 256


def _segment_mean(vals, ids, num_segments):
    s = jax.ops.segment_sum(vals, ids, num_segments=num_segments)
    c = jax.ops.segment_sum(jnp.ones((vals.shape[0], 1), vals.dtype), ids, num_segments=num_segments)
    return s / jnp.maximum(c, 1.0)


def _forward(user_feat, item_feat, src, dst, W2, b2, W3, b3, W4, b4, W5, b5, Wp, bp):
    feats_u, feats_i = user_feat, item_feat
    for k in range(2):
        # multi_update_all: 'evaluate' (user->item) copy_u+mean; 'evaluated' (item->user) copy_u+mean
        h_item = _segment_mean(feats_u[src], dst, N_ITEM)
        h_user = _segment_mean(feats_i[dst], src, N_USER)
        cat_u = jnp.concatenate([feats_u, h_user], axis=1)
        cat_i = jnp.concatenate([feats_i, h_item], axis=1)
        if k == 0:
            feats_u = jax.nn.relu(cat_u @ W2 + b2)
            feats_i = jax.nn.relu(cat_i @ W3 + b3)
        else:
            feats_u = cat_u @ W4 + b4
            feats_i = cat_i @ W5 + b5
    # MLPPredictor on dec_graph = g['user', :, 'item'] edges: score = W(cat(h_u[src], h_i[dst]))
    score = jnp.concatenate([feats_u[src], feats_i[dst]], axis=1) @ Wp + bp
    return jax.nn.softmax(score, axis=1)


def setup_inputs(seed: int = 0):
    key = jax.random.key(seed)
    ks = jax.random.split(key, 16)
    inp = {}
    inp["user_feat"] = jax.random.normal(ks[0], (N_USER, D), dtype=jnp.float32)
    inp["item_feat"] = jax.random.normal(ks[1], (N_ITEM, D), dtype=jnp.float32)
    src = jax.random.randint(ks[2], (N_EDGES,), 0, N_USER, dtype=jnp.int64)
    dst = jax.random.randint(ks[3], (N_EDGES,), 0, N_ITEM, dtype=jnp.int64)
    inp["edge_index"] = jnp.stack([src, dst], axis=0)

    def lin(k, fan_in, fan_out):
        return jax.random.normal(k, (fan_in, fan_out), dtype=jnp.float32) * 0.05

    inp["W2"] = lin(ks[4], 2 * D, D)
    inp["b2"] = jnp.zeros((D,), jnp.float32)
    inp["W3"] = lin(ks[5], 2 * D, D)
    inp["b3"] = jnp.zeros((D,), jnp.float32)
    inp["W4"] = lin(ks[6], 2 * D, D)
    inp["b4"] = jnp.zeros((D,), jnp.float32)
    inp["W5"] = lin(ks[7], 2 * D, D)
    inp["b5"] = jnp.zeros((D,), jnp.float32)
    inp["Wp"] = lin(ks[8], 2 * D, 2)
    inp["bp"] = jnp.zeros((2,), jnp.float32)
    return inp


def reference(user_feat, item_feat, edge_index, W2, b2, W3, b3, W4, b4, W5, b5, Wp, bp):
    src = edge_index[0]
    dst = edge_index[1]
    return _forward(user_feat, item_feat, src, dst, W2, b2, W3, b3, W4, b4, W5, b5, Wp, bp)

if __name__ == "__main__":
    import jax
    _d = setup_inputs()
    print(jax.jit(kernel)(*tuple(_d.values())))

</pallas_src>

<mosaic_0001>
#map = affine_map<(d0, d1) -> (0)>
module attributes {stable_mosaic.version = 14 : i64} {
  func.func @_pred_body(%arg0: i32, %arg1: i32, %arg2: memref<20480xf32, #tpu.memory_space<hbm>>, %arg3: memref<160000xi32, #tpu.memory_space<hbm>>, %arg4: memref<160000xi32, #tpu.memory_space<hbm>>, %arg5: memref<320000xf32, #tpu.memory_space<hbm>>, %arg6: memref<20480xf32, #tpu.memory_space<vmem>>, %arg7: memref<256xi32, #tpu.memory_space<vmem>>, %arg8: memref<256xi32, #tpu.memory_space<vmem>>, %arg9: memref<512xf32, #tpu.memory_space<vmem>>, %arg10: memref<!tpu.dma_semaphore, #tpu.memory_space<semaphore_mem>>) attributes {dimension_semantics = [#tpu.dimension_semantics<core_parallel>, #tpu.dimension_semantics<subcore_parallel>], iteration_bounds = array<i64: 2, 16>, scalar_prefetch = 0 : i64, scratch_operands = 5 : i64, tpu.core_type = #tpu.core_type<sc_vector_subcore>, window_params = [{transform_indices = #map}, {transform_indices = #map}, {transform_indices = #map}, {transform_indices = #map}]} {
    %mul3A = arith.constant 2 : i32
    %mul3A_0 = arith.muli %arg1, %mul3A : i32
    %add3A = arith.addi %mul3A_0, %arg0 : i32
    "tpu.region"() ({
      %run_scoped3A = tpu.sem_alloc : memref<!tpu.dma_semaphore, #tpu.memory_space<semaphore_mem>>
      tpu.enqueue_dma source(%arg2 : memref<20480xf32, #tpu.memory_space<hbm>>) target(%arg6 : memref<20480xf32, #tpu.memory_space<vmem>>) target_semaphore(%run_scoped3A : memref<!tpu.dma_semaphore, #tpu.memory_space<semaphore_mem>>)
      tpu.wait_dma2 semaphore(%run_scoped3A : memref<!tpu.dma_semaphore, #tpu.memory_space<semaphore_mem>>) src(%arg2 : memref<20480xf32, #tpu.memory_space<hbm>>) dst(%arg6 : memref<20480xf32, #tpu.memory_space<vmem>>)
      tpu.yield
    }) : () -> ()
    %while3A = arith.constant 0 : i32
    %while3A_1 = arith.constant 0 : i32
    %while3A_2 = arith.constant 20 : i32
    %while3A_3 = arith.subi %while3A_2, %while3A_1 : i32
    %while3A_4 = arith.addi %while3A_1, %while3A_3 : i32
    %while3A_5 = arith.constant 1 : i32
    %while3A_6 = arith.divsi %while3A_3, %while3A_5 : i32
    %while3A_7 = arith.muli %while3A_6, %while3A_5 : i32
    %while3A_8 = arith.addi %while3A_1, %while3A_7 : i32
    %while3A_9 = arith.constant 1 : i32
    scf.for %while3A_11 = %while3A_1 to %while3A_8 step %while3A_9  : i32 {
      %mul3A_12 = arith.constant 32 : i32
      %mul3A_13 = arith.muli %while3A_11, %mul3A_12 : i32
      %add3A_14 = arith.addi %mul3A_13, %add3A : i32
      %lt3A = arith.constant 625 : i32
      %lt3A_15 = arith.cmpi slt, %add3A_14, %lt3A : i32
      %convert_element_type3A = arith.extui %lt3A_15 : i1 to i32
      %cond3A = arith.constant 0 : i32
      %cond3A_16 = arith.cmpi ne, %convert_element_type3A, %cond3A : i32
      scf.if %cond3A_16 {
        %mul3A_17 = arith.constant 256 : i32
        %mul3A_18 = arith.muli %add3A_14, %mul3A_17 : i32
        %multiple_of3A = tpu.assume_multiple %mul3A_18, 256 : i32
        %dma_start3A = tpu.memref_slice %arg3[%multiple_of3A] : memref<160000xi32, #tpu.memory_space<hbm>> -> memref<256xi32, #tpu.memory_space<hbm>>
        %dma_start3A_19 = tpu.memref_slice %arg3[%multiple_of3A] : memref<160000xi32, #tpu.memory_space<hbm>> -> memref<256xi32, #tpu.memory_space<hbm>>
        tpu.enqueue_dma source(%dma_start3A_19 : memref<256xi32, #tpu.memory_space<hbm>>) target(%arg7 : memref<256xi32, #tpu.memory_space<vmem>>) target_semaphore(%arg10 : memref<!tpu.dma_semaphore, #tpu.memory_space<semaphore_mem>>)
        %dma_start3A_20 = tpu.memref_slice %arg4[%multiple_of3A] : memref<160000xi32, #tpu.memory_space<hbm>> -> memref<256xi32, #tpu.memory_space<hbm>>
        %dma_start3A_21 = tpu.memref_slice %arg4[%multiple_of3A] : memref<160000xi32, #tpu.memory_space<hbm>> -> memref<256xi32, #tpu.memory_space<hbm>>
        tpu.enqueue_dma source(%dma_start3A_21 : memref<256xi32, #tpu.memory_space<hbm>>) target(%arg8 : memref<256xi32, #tpu.memory_space<vmem>>) target_semaphore(%arg10 : memref<!tpu.dma_semaphore, #tpu.memory_space<semaphore_mem>>)
        %dma_wait3A = tpu.memref_slice %arg3[%multiple_of3A] : memref<160000xi32, #tpu.memory_space<hbm>> -> memref<256xi32, #tpu.memory_space<hbm>>
        %dma_wait3A_22 = tpu.memref_slice %arg3[%multiple_of3A] : memref<160000xi32, #tpu.memory_space<hbm>> -> memref<256xi32, #tpu.memory_space<hbm>>
        tpu.wait_dma2 semaphore(%arg10 : memref<!tpu.dma_semaphore, #tpu.memory_space<semaphore_mem>>) src(%dma_wait3A_22 : memref<256xi32, #tpu.memory_space<hbm>>) dst(%arg7 : memref<256xi32, #tpu.memory_space<vmem>>)
        %dma_wait3A_23 = tpu.memref_slice %arg4[%multiple_of3A] : memref<160000xi32, #tpu.memory_space<hbm>> -> memref<256xi32, #tpu.memory_space<hbm>>
        %dma_wait3A_24 = tpu.memref_slice %arg4[%multiple_of3A] : memref<160000xi32, #tpu.memory_space<hbm>> -> memref<256xi32, #tpu.memory_space<hbm>>
        tpu.wait_dma2 semaphore(%arg10 : memref<!tpu.dma_semaphore, #tpu.memory_space<semaphore_mem>>) src(%dma_wait3A_24 : memref<256xi32, #tpu.memory_space<hbm>>) dst(%arg8 : memref<256xi32, #tpu.memory_space<vmem>>)
        %while3A_25 = arith.constant 0 : i32
        %while3A_26 = arith.constant 0 : i32
        %while3A_27 = arith.constant 16 : i32
        %while3A_28 = arith.subi %while3A_27, %while3A_26 : i32
        %while3A_29 = arith.addi %while3A_26, %while3A_28 : i32
        %while3A_30 = arith.constant 1 : i32
        %while3A_31 = arith.divsi %while3A_28, %while3A_30 : i32
        %while3A_32 = arith.muli %while3A_31, %while3A_30 : i32
        %while3A_33 = arith.addi %while3A_26, %while3A_32 : i32
        %while3A_34 = arith.constant 1 : i32
        scf.for %while3A_38 = %while3A_26 to %while3A_33 step %while3A_34  : i32 {
          %mul3A_39 = arith.constant 16 : i32
          %mul3A_40 = arith.muli %while3A_38, %mul3A_39 : i32
          %get3A = arith.index_cast %mul3A_40 : i32 to index
          %get3A_41 = tpu.vector_load %arg7[%get3A] {strides = array<i32>} : memref<256xi32, #tpu.memory_space<vmem>>, vector<16xi32>,
          %mul3A_42 = arith.constant 16 : i32
          %mul3A_43 = arith.muli %while3A_38, %mul3A_42 : i32
          %get3A_44 = arith.index_cast %mul3A_43 : i32 to index
          %get3A_45 = tpu.vector_load %arg8[%get3A_44] {strides = array<i32>} : memref<256xi32, #tpu.memory_space<vmem>>, vector<16xi32>,
          %gather3A = tpu.vector_load_idx %arg6[%get3A_41] : memref<20480xf32, #tpu.memory_space<vmem>>[vector<16xi32>], vector<16xf32>,
          %add3A_46 = arith.constant 10240 : i32
          %add3A_47 = vector.broadcast %add3A_46 : i32 to vector<16xi32>
          %add3A_48 = arith.addi %get3A_45, %add3A_47 : vector<16xi32>
          %gather3A_49 = tpu.vector_load_idx %arg6[%add3A_48] : memref<20480xf32, #tpu.memory_space<vmem>>[vector<16xi32>], vector<16xf32>,
          %add3A_50 = arith.addf %gather3A, %gather3A_49 : vector<16xf32>
          %add3A_51 = arith.constant 5120 : i32
          %add3A_52 = vector.broadcast %add3A_51 : i32 to vector<16xi32>
          %add3A_53 = arith.addi %get3A_41, %add3A_52 : vector<16xi32>
          %gather3A_54 = tpu.vector_load_idx %arg6[%add3A_53] : memref<20480xf32, #tpu.memory_space<vmem>>[vector<16xi32>], vector<16xf32>,
          %add3A_55 = arith.constant 15360 : i32
          %add3A_56 = vector.broadcast %add3A_55 : i32 to vector<16xi32>
          %add3A_57 = arith.addi %get3A_45, %add3A_56 : vector<16xi32>
          %gather3A_58 = tpu.vector_load_idx %arg6[%add3A_57] : memref<20480xf32, #tpu.memory_space<vmem>>[vector<16xi32>], vector<16xf32>,
          %add3A_59 = arith.addf %gather3A_54, %gather3A_58 : vector<16xf32>
          %max3A = arith.maximumf %add3A_50, %add3A_59 : vector<16xf32>
          %sub3A = arith.subf %add3A_50, %max3A : vector<16xf32>
          %exp3A = math.exp %sub3A : vector<16xf32>
          %sub3A_60 = arith.subf %add3A_59, %max3A : vector<16xf32>
          %exp3A_61 = math.exp %sub3A_60 : vector<16xf32>
          %add3A_62 = arith.addf %exp3A, %exp3A_61 : vector<16xf32>
          %mul3A_63 = arith.constant 32 : i32
          %mul3A_64 = arith.muli %while3A_38, %mul3A_63 : i32
          %iota3A = tpu.iota {dimensions = array<i32: 0>} : vector<16xi32>
          %mul3A_65 = arith.constant 2 : i32
          %mul3A_66 = vector.broadcast %mul3A_65 : i32 to vector<16xi32>
          %mul3A_67 = arith.muli %iota3A, %mul3A_66 : vector<16xi32>
          %add3A_68 = vector.broadcast %mul3A_64 : i32 to vector<16xi32>
          %add3A_69 = arith.addi %add3A_68, %mul3A_67 : vector<16xi32>
          %div3A = arith.divf %exp3A, %add3A_62 : vector<16xf32>
          tpu.vector_store_idx %arg9[%add3A_69], %div3A : memref<512xf32, #tpu.memory_space<vmem>>[vector<16xi32>], vector<16xf32>,
          %add3A_70 = arith.constant 1 : i32
          %add3A_71 = vector.broadcast %add3A_70 : i32 to vector<16xi32>
          %add3A_72 = arith.addi %add3A_69, %add3A_71 : vector<16xi32>
          %div3A_73 = arith.divf %exp3A_61, %add3A_62 : vector<16xf32>
          tpu.vector_store_idx %arg9[%add3A_72], %div3A_73 : memref<512xf32, #tpu.memory_space<vmem>>[vector<16xi32>], vector<16xf32>,
        }
        %while3A_35 = arith.constant 1 : i32
        scf.for %while3A_38 = %while3A_33 to %while3A_29 step %while3A_35  : i32 {
          %mul3A_39 = arith.constant 16 : i32
          %mul3A_40 = arith.muli %while3A_38, %mul3A_39 : i32
          %get3A = arith.index_cast %mul3A_40 : i32 to index
          %get3A_41 = tpu.vector_load %arg7[%get3A] {strides = array<i32>} : memref<256xi32, #tpu.memory_space<vmem>>, vector<16xi32>,
          %mul3A_42 = arith.constant 16 : i32
          %mul3A_43 = arith.muli %while3A_38, %mul3A_42 : i32
          %get3A_44 = arith.index_cast %mul3A_43 : i32 to index
          %get3A_45 = tpu.vector_load %arg8[%get3A_44] {strides = array<i32>} : memref<256xi32, #tpu.memory_space<vmem>>, vector<16xi32>,
          %gather3A = tpu.vector_load_idx %arg6[%get3A_41] : memref<20480xf32, #tpu.memory_space<vmem>>[vector<16xi32>], vector<16xf32>,
          %add3A_46 = arith.constant 10240 : i32
          %add3A_47 = vector.broadcast %add3A_46 : i32 to vector<16xi32>
          %add3A_48 = arith.addi %get3A_45, %add3A_47 : vector<16xi32>
          %gather3A_49 = tpu.vector_load_idx %arg6[%add3A_48] : memref<20480xf32, #tpu.memory_space<vmem>>[vector<16xi32>], vector<16xf32>,
          %add3A_50 = arith.addf %gather3A, %gather3A_49 : vector<16xf32>
          %add3A_51 = arith.constant 5120 : i32
          %add3A_52 = vector.broadcast %add3A_51 : i32 to vector<16xi32>
          %add3A_53 = arith.addi %get3A_41, %add3A_52 : vector<16xi32>
          %gather3A_54 = tpu.vector_load_idx %arg6[%add3A_53] : memref<20480xf32, #tpu.memory_space<vmem>>[vector<16xi32>], vector<16xf32>,
          %add3A_55 = arith.constant 15360 : i32
          %add3A_56 = vector.broadcast %add3A_55 : i32 to vector<16xi32>
          %add3A_57 = arith.addi %get3A_45, %add3A_56 : vector<16xi32>
          %gather3A_58 = tpu.vector_load_idx %arg6[%add3A_57] : memref<20480xf32, #tpu.memory_space<vmem>>[vector<16xi32>], vector<16xf32>,
          %add3A_59 = arith.addf %gather3A_54, %gather3A_58 : vector<16xf32>
          %max3A = arith.maximumf %add3A_50, %add3A_59 : vector<16xf32>
          %sub3A = arith.subf %add3A_50, %max3A : vector<16xf32>
          %exp3A = math.exp %sub3A : vector<16xf32>
          %sub3A_60 = arith.subf %add3A_59, %max3A : vector<16xf32>
          %exp3A_61 = math.exp %sub3A_60 : vector<16xf32>
          %add3A_62 = arith.addf %exp3A, %exp3A_61 : vector<16xf32>
          %mul3A_63 = arith.constant 32 : i32
          %mul3A_64 = arith.muli %while3A_38, %mul3A_63 : i32
          %iota3A = tpu.iota {dimensions = array<i32: 0>} : vector<16xi32>
          %mul3A_65 = arith.constant 2 : i32
          %mul3A_66 = vector.broadcast %mul3A_65 : i32 to vector<16xi32>
          %mul3A_67 = arith.muli %iota3A, %mul3A_66 : vector<16xi32>
          %add3A_68 = vector.broadcast %mul3A_64 : i32 to vector<16xi32>
          %add3A_69 = arith.addi %add3A_68, %mul3A_67 : vector<16xi32>
          %div3A = arith.divf %exp3A, %add3A_62 : vector<16xf32>
          tpu.vector_store_idx %arg9[%add3A_69], %div3A : memref<512xf32, #tpu.memory_space<vmem>>[vector<16xi32>], vector<16xf32>,
          %add3A_70 = arith.constant 1 : i32
          %add3A_71 = vector.broadcast %add3A_70 : i32 to vector<16xi32>
          %add3A_72 = arith.addi %add3A_69, %add3A_71 : vector<16xi32>
          %div3A_73 = arith.divf %exp3A_61, %add3A_62 : vector<16xf32>
          tpu.vector_store_idx %arg9[%add3A_72], %div3A_73 : memref<512xf32, #tpu.memory_space<vmem>>[vector<16xi32>], vector<16xf32>,
        }
        %mul3A_36 = arith.constant 2 : i32
        %mul3A_37 = arith.muli %multiple_of3A, %mul3A_36 : i32
        "tpu.region"() ({
          %run_scoped3A = tpu.sem_alloc : memref<!tpu.dma_semaphore, #tpu.memory_space<semaphore_mem>>
          %dma_start3A_38 = tpu.memref_slice %arg5[%mul3A_37] : memref<320000xf32, #tpu.memory_space<hbm>> -> memref<512xf32, #tpu.memory_space<hbm>>
          %dma_start3A_39 = tpu.memref_slice %arg5[%mul3A_37] : memref<320000xf32, #tpu.memory_space<hbm>> -> memref<512xf32, #tpu.memory_space<hbm>>
          tpu.enqueue_dma source(%arg9 : memref<512xf32, #tpu.memory_space<vmem>>) target(%dma_start3A_39 : memref<512xf32, #tpu.memory_space<hbm>>) target_semaphore(%run_scoped3A : memref<!tpu.dma_semaphore, #tpu.memory_space<semaphore_mem>>)
          %dma_wait3A_40 = tpu.memref_slice %arg5[%mul3A_37] : memref<320000xf32, #tpu.memory_space<hbm>> -> memref<512xf32, #tpu.memory_space<hbm>>
          %dma_wait3A_41 = tpu.memref_slice %arg5[%mul3A_37] : memref<320000xf32, #tpu.memory_space<hbm>> -> memref<512xf32, #tpu.memory_space<hbm>>
          tpu.wait_dma2 semaphore(%run_scoped3A : memref<!tpu.dma_semaphore, #tpu.memory_space<semaphore_mem>>) src(%arg9 : memref<512xf32, #tpu.memory_space<vmem>>) dst(%dma_wait3A_41 : memref<512xf32, #tpu.memory_space<hbm>>)
          tpu.yield
        }) : () -> ()
      } else {
      }
    }
    %while3A_10 = arith.constant 1 : i32
    scf.for %while3A_11 = %while3A_8 to %while3A_4 step %while3A_10  : i32 {
      %mul3A_12 = arith.constant 32 : i32
      %mul3A_13 = arith.muli %while3A_11, %mul3A_12 : i32
      %add3A_14 = arith.addi %mul3A_13, %add3A : i32
      %lt3A = arith.constant 625 : i32
      %lt3A_15 = arith.cmpi slt, %add3A_14, %lt3A : i32
      %convert_element_type3A = arith.extui %lt3A_15 : i1 to i32
      %cond3A = arith.constant 0 : i32
      %cond3A_16 = arith.cmpi ne, %convert_element_type3A, %cond3A : i32
      scf.if %cond3A_16 {
        %mul3A_17 = arith.constant 256 : i32
        %mul3A_18 = arith.muli %add3A_14, %mul3A_17 : i32
        %multiple_of3A = tpu.assume_multiple %mul3A_18, 256 : i32
        %dma_start3A = tpu.memref_slice %arg3[%multiple_of3A] : memref<160000xi32, #tpu.memory_space<hbm>> -> memref<256xi32, #tpu.memory_space<hbm>>
        %dma_start3A_19 = tpu.memref_slice %arg3[%multiple_of3A] : memref<160000xi32, #tpu.memory_space<hbm>> -> memref<256xi32, #tpu.memory_space<hbm>>
        tpu.enqueue_dma source(%dma_start3A_19 : memref<256xi32, #tpu.memory_space<hbm>>) target(%arg7 : memref<256xi32, #tpu.memory_space<vmem>>) target_semaphore(%arg10 : memref<!tpu.dma_semaphore, #tpu.memory_space<semaphore_mem>>)
        %dma_start3A_20 = tpu.memref_slice %arg4[%multiple_of3A] : memref<160000xi32, #tpu.memory_space<hbm>> -> memref<256xi32, #tpu.memory_space<hbm>>
        %dma_start3A_21 = tpu.memref_slice %arg4[%multiple_of3A] : memref<160000xi32, #tpu.memory_space<hbm>> -> memref<256xi32, #tpu.memory_space<hbm>>
        tpu.enqueue_dma source(%dma_start3A_21 : memref<256xi32, #tpu.memory_space<hbm>>) target(%arg8 : memref<256xi32, #tpu.memory_space<vmem>>) target_semaphore(%arg10 : memref<!tpu.dma_semaphore, #tpu.memory_space<semaphore_mem>>)
        %dma_wait3A = tpu.memref_slice %arg3[%multiple_of3A] : memref<160000xi32, #tpu.memory_space<hbm>> -> memref<256xi32, #tpu.memory_space<hbm>>
        %dma_wait3A_22 = tpu.memref_slice %arg3[%multiple_of3A] : memref<160000xi32, #tpu.memory_space<hbm>> -> memref<256xi32, #tpu.memory_space<hbm>>
        tpu.wait_dma2 semaphore(%arg10 : memref<!tpu.dma_semaphore, #tpu.memory_space<semaphore_mem>>) src(%dma_wait3A_22 : memref<256xi32, #tpu.memory_space<hbm>>) dst(%arg7 : memref<256xi32, #tpu.memory_space<vmem>>)
        %dma_wait3A_23 = tpu.memref_slice %arg4[%multiple_of3A] : memref<160000xi32, #tpu.memory_space<hbm>> -> memref<256xi32, #tpu.memory_space<hbm>>
        %dma_wait3A_24 = tpu.memref_slice %arg4[%multiple_of3A] : memref<160000xi32, #tpu.memory_space<hbm>> -> memref<256xi32, #tpu.memory_space<hbm>>
        tpu.wait_dma2 semaphore(%arg10 : memref<!tpu.dma_semaphore, #tpu.memory_space<semaphore_mem>>) src(%dma_wait3A_24 : memref<256xi32, #tpu.memory_space<hbm>>) dst(%arg8 : memref<256xi32, #tpu.memory_space<vmem>>)
        %while3A_25 = arith.constant 0 : i32
        %while3A_26 = arith.constant 0 : i32
        %while3A_27 = arith.constant 16 : i32
        %while3A_28 = arith.subi %while3A_27, %while3A_26 : i32
        %while3A_29 = arith.addi %while3A_26, %while3A_28 : i32
        %while3A_30 = arith.constant 1 : i32
        %while3A_31 = arith.divsi %while3A_28, %while3A_30 : i32
        %while3A_32 = arith.muli %while3A_31, %while3A_30 : i32
        %while3A_33 = arith.addi %while3A_26, %while3A_32 : i32
        %while3A_34 = arith.constant 1 : i32
        scf.for %while3A_38 = %while3A_26 to %while3A_33 step %while3A_34  : i32 {
          %mul3A_39 = arith.constant 16 : i32
          %mul3A_40 = arith.muli %while3A_38, %mul3A_39 : i32
          %get3A = arith.index_cast %mul3A_40 : i32 to index
          %get3A_41 = tpu.vector_load %arg7[%get3A] {strides = array<i32>} : memref<256xi32, #tpu.memory_space<vmem>>, vector<16xi32>,
          %mul3A_42 = arith.constant 16 : i32
          %mul3A_43 = arith.muli %while3A_38, %mul3A_42 : i32
          %get3A_44 = arith.index_cast %mul3A_43 : i32 to index
          %get3A_45 = tpu.vector_load %arg8[%get3A_44] {strides = array<i32>} : memref<256xi32, #tpu.memory_space<vmem>>, vector<16xi32>,
          %gather3A = tpu.vector_load_idx %arg6[%get3A_41] : memref<20480xf32, #tpu.memory_space<vmem>>[vector<16xi32>], vector<16xf32>,
          %add3A_46 = arith.constant 10240 : i32
          %add3A_47 = vector.broadcast %add3A_46 : i32 to vector<16xi32>
          %add3A_48 = arith.addi %get3A_45, %add3A_47 : vector<16xi32>
          %gather3A_49 = tpu.vector_load_idx %arg6[%add3A_48] : memref<20480xf32, #tpu.memory_space<vmem>>[vector<16xi32>], vector<16xf32>,
          %add3A_50 = arith.addf %gather3A, %gather3A_49 : vector<16xf32>
          %add3A_51 = arith.constant 5120 : i32
          %add3A_52 = vector.broadcast %add3A_51 : i32 to vector<16xi32>
          %add3A_53 = arith.addi %get3A_41, %add3A_52 : vector<16xi32>
          %gather3A_54 = tpu.vector_load_idx %arg6[%add3A_53] : memref<20480xf32, #tpu.memory_space<vmem>>[vector<16xi32>], vector<16xf32>,
          %add3A_55 = arith.constant 15360 : i32
          %add3A_56 = vector.broadcast %add3A_55 : i32 to vector<16xi32>
          %add3A_57 = arith.addi %get3A_45, %add3A_56 : vector<16xi32>
          %gather3A_58 = tpu.vector_load_idx %arg6[%add3A_57] : memref<20480xf32, #tpu.memory_space<vmem>>[vector<16xi32>], vector<16xf32>,
          %add3A_59 = arith.addf %gather3A_54, %gather3A_58 : vector<16xf32>
          %max3A = arith.maximumf %add3A_50, %add3A_59 : vector<16xf32>
          %sub3A = arith.subf %add3A_50, %max3A : vector<16xf32>
          %exp3A = math.exp %sub3A : vector<16xf32>
          %sub3A_60 = arith.subf %add3A_59, %max3A : vector<16xf32>
          %exp3A_61 = math.exp %sub3A_60 : vector<16xf32>
          %add3A_62 = arith.addf %exp3A, %exp3A_61 : vector<16xf32>
          %mul3A_63 = arith.constant 32 : i32
          %mul3A_64 = arith.muli %while3A_38, %mul3A_63 : i32
          %iota3A = tpu.iota {dimensions = array<i32: 0>} : vector<16xi32>
          %mul3A_65 = arith.constant 2 : i32
          %mul3A_66 = vector.broadcast %mul3A_65 : i32 to vector<16xi32>
          %mul3A_67 = arith.muli %iota3A, %mul3A_66 : vector<16xi32>
          %add3A_68 = vector.broadcast %mul3A_64 : i32 to vector<16xi32>
          %add3A_69 = arith.addi %add3A_68, %mul3A_67 : vector<16xi32>
          %div3A = arith.divf %exp3A, %add3A_62 : vector<16xf32>
          tpu.vector_store_idx %arg9[%add3A_69], %div3A : memref<512xf32, #tpu.memory_space<vmem>>[vector<16xi32>], vector<16xf32>,
          %add3A_70 = arith.constant 1 : i32
          %add3A_71 = vector.broadcast %add3A_70 : i32 to vector<16xi32>
          %add3A_72 = arith.addi %add3A_69, %add3A_71 : vector<16xi32>
          %div3A_73 = arith.divf %exp3A_61, %add3A_62 : vector<16xf32>
          tpu.vector_store_idx %arg9[%add3A_72], %div3A_73 : memref<512xf32, #tpu.memory_space<vmem>>[vector<16xi32>], vector<16xf32>,
        }
        %while3A_35 = arith.constant 1 : i32
        scf.for %while3A_38 = %while3A_33 to %while3A_29 step %while3A_35  : i32 {
          %mul3A_39 = arith.constant 16 : i32
          %mul3A_40 = arith.muli %while3A_38, %mul3A_39 : i32
          %get3A = arith.index_cast %mul3A_40 : i32 to index
          %get3A_41 = tpu.vector_load %arg7[%get3A] {strides = array<i32>} : memref<256xi32, #tpu.memory_space<vmem>>, vector<16xi32>,
          %mul3A_42 = arith.constant 16 : i32
          %mul3A_43 = arith.muli %while3A_38, %mul3A_42 : i32
          %get3A_44 = arith.index_cast %mul3A_43 : i32 to index
          %get3A_45 = tpu.vector_load %arg8[%get3A_44] {strides = array<i32>} : memref<256xi32, #tpu.memory_space<vmem>>, vector<16xi32>,
          %gather3A = tpu.vector_load_idx %arg6[%get3A_41] : memref<20480xf32, #tpu.memory_space<vmem>>[vector<16xi32>], vector<16xf32>,
          %add3A_46 = arith.constant 10240 : i32
          %add3A_47 = vector.broadcast %add3A_46 : i32 to vector<16xi32>
          %add3A_48 = arith.addi %get3A_45, %add3A_47 : vector<16xi32>
          %gather3A_49 = tpu.vector_load_idx %arg6[%add3A_48] : memref<20480xf32, #tpu.memory_space<vmem>>[vector<16xi32>], vector<16xf32>,
          %add3A_50 = arith.addf %gather3A, %gather3A_49 : vector<16xf32>
          %add3A_51 = arith.constant 5120 : i32
          %add3A_52 = vector.broadcast %add3A_51 : i32 to vector<16xi32>
          %add3A_53 = arith.addi %get3A_41, %add3A_52 : vector<16xi32>
          %gather3A_54 = tpu.vector_load_idx %arg6[%add3A_53] : memref<20480xf32, #tpu.memory_space<vmem>>[vector<16xi32>], vector<16xf32>,
          %add3A_55 = arith.constant 15360 : i32
          %add3A_56 = vector.broadcast %add3A_55 : i32 to vector<16xi32>
          %add3A_57 = arith.addi %get3A_45, %add3A_56 : vector<16xi32>
          %gather3A_58 = tpu.vector_load_idx %arg6[%add3A_57] : memref<20480xf32, #tpu.memory_space<vmem>>[vector<16xi32>], vector<16xf32>,
          %add3A_59 = arith.addf %gather3A_54, %gather3A_58 : vector<16xf32>
          %max3A = arith.maximumf %add3A_50, %add3A_59 : vector<16xf32>
          %sub3A = arith.subf %add3A_50, %max3A : vector<16xf32>
          %exp3A = math.exp %sub3A : vector<16xf32>
          %sub3A_60 = arith.subf %add3A_59, %max3A : vector<16xf32>
          %exp3A_61 = math.exp %sub3A_60 : vector<16xf32>
          %add3A_62 = arith.addf %exp3A, %exp3A_61 : vector<16xf32>
          %mul3A_63 = arith.constant 32 : i32
          %mul3A_64 = arith.muli %while3A_38, %mul3A_63 : i32
          %iota3A = tpu.iota {dimensions = array<i32: 0>} : vector<16xi32>
          %mul3A_65 = arith.constant 2 : i32
          %mul3A_66 = vector.broadcast %mul3A_65 : i32 to vector<16xi32>
          %mul3A_67 = arith.muli %iota3A, %mul3A_66 : vector<16xi32>
          %add3A_68 = vector.broadcast %mul3A_64 : i32 to vector<16xi32>
          %add3A_69 = arith.addi %add3A_68, %mul3A_67 : vector<16xi32>
          %div3A = arith.divf %exp3A, %add3A_62 : vector<16xf32>
          tpu.vector_store_idx %arg9[%add3A_69], %div3A : memref<512xf32, #tpu.memory_space<vmem>>[vector<16xi32>], vector<16xf32>,
          %add3A_70 = arith.constant 1 : i32
          %add3A_71 = vector.broadcast %add3A_70 : i32 to vector<16xi32>
          %add3A_72 = arith.addi %add3A_69, %add3A_71 : vector<16xi32>
          %div3A_73 = arith.divf %exp3A_61, %add3A_62 : vector<16xf32>
          tpu.vector_store_idx %arg9[%add3A_72], %div3A_73 : memref<512xf32, #tpu.memory_space<vmem>>[vector<16xi32>], vector<16xf32>,
        }
        %mul3A_36 = arith.constant 2 : i32
        %mul3A_37 = arith.muli %multiple_of3A, %mul3A_36 : i32
        "tpu.region"() ({
          %run_scoped3A = tpu.sem_alloc : memref<!tpu.dma_semaphore, #tpu.memory_space<semaphore_mem>>
          %dma_start3A_38 = tpu.memref_slice %arg5[%mul3A_37] : memref<320000xf32, #tpu.memory_space<hbm>> -> memref<512xf32, #tpu.memory_space<hbm>>
          %dma_start3A_39 = tpu.memref_slice %arg5[%mul3A_37] : memref<320000xf32, #tpu.memory_space<hbm>> -> memref<512xf32, #tpu.memory_space<hbm>>
          tpu.enqueue_dma source(%arg9 : memref<512xf32, #tpu.memory_space<vmem>>) target(%dma_start3A_39 : memref<512xf32, #tpu.memory_space<hbm>>) target_semaphore(%run_scoped3A : memref<!tpu.dma_semaphore, #tpu.memory_space<semaphore_mem>>)
          %dma_wait3A_40 = tpu.memref_slice %arg5[%mul3A_37] : memref<320000xf32, #tpu.memory_space<hbm>> -> memref<512xf32, #tpu.memory_space<hbm>>
          %dma_wait3A_41 = tpu.memref_slice %arg5[%mul3A_37] : memref<320000xf32, #tpu.memory_space<hbm>> -> memref<512xf32, #tpu.memory_space<hbm>>
          tpu.wait_dma2 semaphore(%run_scoped3A : memref<!tpu.dma_semaphore, #tpu.memory_space<semaphore_mem>>) src(%arg9 : memref<512xf32, #tpu.memory_space<vmem>>) dst(%dma_wait3A_41 : memref<512xf32, #tpu.memory_space<hbm>>)
          tpu.yield
        }) : () -> ()
      } else {
      }
    }
    return
  }
}

#map = affine_map<(d0, d1) -> (0)>
#map1 = affine_map<(d0, d1) -> (0, 0)>
module attributes {stable_mosaic.version = 14 : i64} {
  func.func @_cbuild_body(%arg0: i32, %arg1: i32, %arg2: memref<160000xi32, #tpu.memory_space<hbm>>, %arg3: memref<160000xi32, #tpu.memory_space<hbm>>, %arg4: memref<160000xi32, #tpu.memory_space<hbm>>, %arg5: memref<96x1280xi32, #tpu.memory_space<hbm>>, %arg6: memref<5376x1280xi32, #tpu.memory_space<hbm>>, %arg7: memref<800xi32, #tpu.memory_space<vmem>>, %arg8: memref<800xi32, #tpu.memory_space<vmem>>, %arg9: memref<800xi32, #tpu.memory_space<vmem>>, %arg10: memref<800xi32, #tpu.memory_space<vmem>>, %arg11: memref<800xi32, #tpu.memory_space<vmem>>, %arg12: memref<800xi32, #tpu.memory_space<vmem>>, %arg13: memref<96x1280xi32, #tpu.memory_space<vmem>>, %arg14: memref<!tpu.dma_semaphore, #tpu.memory_space<semaphore_mem>>, %arg15: memref<!tpu.dma_semaphore, #tpu.memory_space<semaphore_mem>>) attributes {dimension_semantics = [#tpu.dimension_semantics<core_parallel>, #tpu.dimension_semantics<subcore_parallel>], iteration_bounds = array<i64: 2, 16>, scalar_prefetch = 0 : i64, scratch_operands = 9 : i64, tpu.core_type = #tpu.core_type<sc_vector_subcore>, window_params = [{transform_indices = #map}, {transform_indices = #map}, {transform_indices = #map}, {transform_indices = #map1}, {transform_indices = #map1}]} {
    %mul3A = arith.constant 2 : i32
    %mul3A_0 = arith.muli %arg1, %mul3A : i32
    %add3A = arith.addi %mul3A_0, %arg0 : i32
    %while3A = arith.constant 0 : i32
    %while3A_1 = arith.constant 0 : i32
    %while3A_2 = arith.constant 2 : i32
    %while3A_3 = arith.subi %while3A_2, %while3A_1 : i32
    %while3A_4 = arith.addi %while3A_1, %while3A_3 : i32
    %while3A_5 = arith.constant 1 : i32
    %while3A_6 = arith.divsi %while3A_3, %while3A_5 : i32
    %while3A_7 = arith.muli %while3A_6, %while3A_5 : i32
    %while3A_8 = arith.addi %while3A_1, %while3A_7 : i32
    %while3A_9 = arith.constant 1 : i32
    scf.for %while3A_11 = %while3A_1 to %while3A_8 step %while3A_9  : i32 {
      %mul3A_12 = arith.constant 32 : i32
      %mul3A_13 = arith.muli %while3A_11, %mul3A_12 : i32
      %add3A_14 = arith.addi %mul3A_13, %add3A : i32
      %lt3A = arith.constant 56 : i32
      %lt3A_15 = arith.cmpi slt, %add3A_14, %lt3A : i32
      %convert_element_type3A = arith.extui %lt3A_15 : i1 to i32
      %cond3A = arith.constant 0 : i32
      %cond3A_16 = arith.cmpi ne, %convert_element_type3A, %cond3A : i32
      scf.if %cond3A_16 {
        %mul3A_17 = arith.constant 96 : i32
        %mul3A_18 = arith.muli %add3A_14, %mul3A_17 : i32
        "tpu.region"() ({
          %run_scoped3A = tpu.sem_alloc : memref<!tpu.dma_semaphore, #tpu.memory_space<semaphore_mem>>
          tpu.enqueue_dma source(%arg5 : memref<96x1280xi32, #tpu.memory_space<hbm>>) target(%arg13 : memref<96x1280xi32, #tpu.memory_space<vmem>>) target_semaphore(%run_scoped3A : memref<!tpu.dma_semaphore, #tpu.memory_space<semaphore_mem>>)
          tpu.wait_dma2 semaphore(%run_scoped3A : memref<!tpu.dma_semaphore, #tpu.memory_space<semaphore_mem>>) src(%arg5 : memref<96x1280xi32, #tpu.memory_space<hbm>>) dst(%arg13 : memref<96x1280xi32, #tpu.memory_space<vmem>>)
          tpu.yield
        }) : () -> ()
        %broadcast_in_dim3A = arith.constant 0 : i32
        %broadcast_in_dim3A_19 = vector.broadcast %broadcast_in_dim3A : i32 to vector<16xi32>
        %add3A_20 = vector.broadcast %mul3A_18 : i32 to vector<16xi32>
        %add3A_21 = arith.addi %broadcast_in_dim3A_19, %add3A_20 : vector<16xi32>
        %mul3A_22 = arith.constant 0 : i32
        %mul3A_23 = arith.constant 800 : i32
        %mul3A_24 = arith.muli %mul3A_22, %mul3A_23 : i32
        %multiple_of3A = tpu.assume_multiple %mul3A_24, 800 : i32
        %dma_start3A = tpu.memref_slice %arg2[%multiple_of3A] : memref<160000xi32, #tpu.memory_space<hbm>> -> memref<800xi32, #tpu.memory_space<hbm>>
        %dma_start3A_25 = tpu.memref_slice %arg2[%multiple_of3A] : memref<160000xi32, #tpu.memory_space<hbm>> -> memref<800xi32, #tpu.memory_space<hbm>>
        tpu.enqueue_dma source(%dma_start3A_25 : memref<800xi32, #tpu.memory_space<hbm>>) target(%arg7 : memref<800xi32, #tpu.memory_space<vmem>>) target_semaphore(%arg14 : memref<!tpu.dma_semaphore, #tpu.memory_space<semaphore_mem>>)
        %dma_start3A_26 = tpu.memref_slice %arg3[%multiple_of3A] : memref<160000xi32, #tpu.memory_space<hbm>> -> memref<800xi32, #tpu.memory_space<hbm>>
        %dma_start3A_27 = tpu.memref_slice %arg3[%multiple_of3A] : memref<160000xi32, #tpu.memory_space<hbm>> -> memref<800xi32, #tpu.memory_space<hbm>>
        tpu.enqueue_dma source(%dma_start3A_27 : memref<800xi32, #tpu.memory_space<hbm>>) target(%arg8 : memref<800xi32, #tpu.memory_space<vmem>>) target_semaphore(%arg14 : memref<!tpu.dma_semaphore, #tpu.memory_space<semaphore_mem>>)
        %dma_start3A_28 = tpu.memref_slice %arg4[%multiple_of3A] : memref<160000xi32, #tpu.memory_space<hbm>> -> memref<800xi32, #tpu.memory_space<hbm>>
        %dma_start3A_29 = tpu.memref_slice %arg4[%multiple_of3A] : memref<160000xi32, #tpu.memory_space<hbm>> -> memref<800xi32, #tpu.memory_space<hbm>>
        tpu.enqueue_dma source(%dma_start3A_29 : memref<800xi32, #tpu.memory_space<hbm>>) target(%arg9 : memref<800xi32, #tpu.memory_space<vmem>>) target_semaphore(%arg14 : memref<!tpu.dma_semaphore, #tpu.memory_space<semaphore_mem>>)
        %while3A_30 = arith.constant 0 : i32
        %while3A_31 = arith.constant 0 : i32
        %while3A_32 = arith.constant 100 : i32
        %while3A_33 = arith.subi %while3A_32, %while3A_31 : i32
        %while3A_34 = arith.addi %while3A_31, %while3A_33 : i32
        %while3A_35 = arith.constant 1 : i32
        %while3A_36 = arith.divsi %while3A_33, %while3A_35 : i32
        %while3A_37 = arith.muli %while3A_36, %while3A_35 : i32
        %while3A_38 = arith.addi %while3A_31, %while3A_37 : i32
        %while3A_39 = arith.constant 1 : i32
        scf.for %while3A_44 = %while3A_31 to %while3A_38 step %while3A_39  : i32 {
          %mul3A_45 = arith.constant 2 : i32
          %mul3A_46 = arith.muli %while3A_44, %mul3A_45 : i32
          %add3A_47 = arith.constant 1 : i32
          %add3A_48 = arith.addi %mul3A_46, %add3A_47 : i32
          %mul3A_49 = arith.constant 800 : i32
          %mul3A_50 = arith.muli %add3A_48, %mul3A_49 : i32
          %multiple_of3A_51 = tpu.assume_multiple %mul3A_50, 800 : i32
          %dma_start3A_52 = tpu.memref_slice %arg2[%multiple_of3A_51] : memref<160000xi32, #tpu.memory_space<hbm>> -> memref<800xi32, #tpu.memory_space<hbm>>
          %dma_start3A_53 = tpu.memref_slice %arg2[%multiple_of3A_51] : memref<160000xi32, #tpu.memory_space<hbm>> -> memref<800xi32, #tpu.memory_space<hbm>>
          tpu.enqueue_dma source(%dma_start3A_53 : memref<800xi32, #tpu.memory_space<hbm>>) target(%arg10 : memref<800xi32, #tpu.memory_space<vmem>>) target_semaphore(%arg15 : memref<!tpu.dma_semaphore, #tpu.memory_space<semaphore_mem>>)
          %dma_start3A_54 = tpu.memref_slice %arg3[%multiple_of3A_51] : memref<160000xi32, #tpu.memory_space<hbm>> -> memref<800xi32, #tpu.memory_space<hbm>>
          %dma_start3A_55 = tpu.memref_slice %arg3[%multiple_of3A_51] : memref<160000xi32, #tpu.memory_space<hbm>> -> memref<800xi32, #tpu.memory_space<hbm>>
          tpu.enqueue_dma source(%dma_start3A_55 : memref<800xi32, #tpu.memory_space<hbm>>) target(%arg11 : memref<800xi32, #tpu.memory_space<vmem>>) target_semaphore(%arg15 : memref<!tpu.dma_semaphore, #tpu.memory_space<semaphore_mem>>)
          %dma_start3A_56 = tpu.memref_slice %arg4[%multiple_of3A_51] : memref<160000xi32, #tpu.memory_space<hbm>> -> memref<800xi32, #tpu.memory_space<hbm>>
          %dma_start3A_57 = tpu.memref_slice %arg4[%multiple_of3A_51] : memref<160000xi32, #tpu.memory_space<hbm>> -> memref<800xi32, #tpu.memory_space<hbm>>
          tpu.enqueue_dma source(%dma_start3A_57 : memref<800xi32, #tpu.memory_space<hbm>>) target(%arg12 : memref<800xi32, #tpu.memory_space<vmem>>) target_semaphore(%arg15 : memref<!tpu.dma_semaphore, #tpu.memory_space<semaphore_mem>>)
          %dma_wait3A = arith.constant 0 : i32
          %dma_wait3A_58 = tpu.memref_slice %arg2[%dma_wait3A] : memref<160000xi32, #tpu.memory_space<hbm>> -> memref<800xi32, #tpu.memory_space<hbm>>
          %dma_wait3A_59 = tpu.memref_slice %arg2[%dma_wait3A] : memref<160000xi32, #tpu.memory_space<hbm>> -> memref<800xi32, #tpu.memory_space<hbm>>
          tpu.wait_dma2 semaphore(%arg14 : memref<!tpu.dma_semaphore, #tpu.memory_space<semaphore_mem>>) src(%dma_wait3A_59 : memref<800xi32, #tpu.memory_space<hbm>>) dst(%arg7 : memref<800xi32, #tpu.memory_space<vmem>>)
          %dma_wait3A_60 = arith.constant 0 : i32
          %dma_wait3A_61 = tpu.memref_slice %arg3[%dma_wait3A_60] : memref<160000xi32, #tpu.memory_space<hbm>> -> memref<800xi32, #tpu.memory_space<hbm>>
          %dma_wait3A_62 = tpu.memref_slice %arg3[%dma_wait3A_60] : memref<160000xi32, #tpu.memory_space<hbm>> -> memref<800xi32, #tpu.memory_space<hbm>>
          tpu.wait_dma2 semaphore(%arg14 : memref<!tpu.dma_semaphore, #tpu.memory_space<semaphore_mem>>) src(%dma_wait3A_62 : memref<800xi32, #tpu.memory_space<hbm>>) dst(%arg8 : memref<800xi32, #tpu.memory_space<vmem>>)
          %dma_wait3A_63 = arith.constant 0 : i32
          %dma_wait3A_64 = tpu.memref_slice %arg4[%dma_wait3A_63] : memref<160000xi32, #tpu.memory_space<hbm>> -> memref<800xi32, #tpu.memory_space<hbm>>
          %dma_wait3A_65 = tpu.memref_slice %arg4[%dma_wait3A_63] : memref<160000xi32, #tpu.memory_space<hbm>> -> memref<800xi32, #tpu.memory_space<hbm>>
          tpu.wait_dma2 semaphore(%arg14 : memref<!tpu.dma_semaphore, #tpu.memory_space<semaphore_mem>>) src(%dma_wait3A_65 : memref<800xi32, #tpu.memory_space<hbm>>) dst(%arg9 : memref<800xi32, #tpu.memory_space<vmem>>)
          %while3A_66 = arith.constant 0 : i32
          %while3A_67 = arith.constant 0 : i32
          %while3A_68 = arith.constant 50 : i32
          %while3A_69 = arith.subi %while3A_68, %while3A_67 : i32
          %while3A_70 = arith.addi %while3A_67, %while3A_69 : i32
          %while3A_71 = arith.constant 1 : i32
          %while3A_72 = arith.divsi %while3A_69, %while3A_71 : i32
          %while3A_73 = arith.muli %while3A_72, %while3A_71 : i32
          %while3A_74 = arith.addi %while3A_67, %while3A_73 : i32
          %while3A_75 = arith.constant 1 : i32
          scf.for %while3A_102 = %while3A_67 to %while3A_74 step %while3A_75  : i32 {
            %mul3A_103 = arith.constant 16 : i32
            %mul3A_104 = arith.muli %while3A_102, %mul3A_103 : i32
            %get3A = arith.index_cast %mul3A_104 : i32 to index
            %get3A_105 = tpu.vector_load %arg7[%get3A] {strides = array<i32>} : memref<800xi32, #tpu.memory_space<vmem>>, vector<16xi32>,
            %sub3A = arith.subi %get3A_105, %add3A_21 : vector<16xi32>
            %ge3A = arith.constant 0 : i32
            %ge3A_106 = vector.broadcast %ge3A : i32 to vector<16xi32>
            %ge3A_107 = arith.cmpi sge, %sub3A, %ge3A_106 : vector<16xi32>
            %lt3A_108 = arith.constant 96 : i32
            %lt3A_109 = vector.broadcast %lt3A_108 : i32 to vector<16xi32>
            %lt3A_110 = arith.cmpi slt, %sub3A, %lt3A_109 : vector<16xi32>
            %and3A = arith.andi %ge3A_107, %lt3A_110 : vector<16xi1>
            %get3A_111 = arith.index_cast %mul3A_104 : i32 to index
            %get3A_112 = tpu.vector_load %arg8[%get3A_111] {strides = array<i32>} : memref<800xi32, #tpu.memory_space<vmem>>, vector<16xi32>,
            %get3A_113 = arith.index_cast %mul3A_104 : i32 to index
            %get3A_114 = tpu.vector_load %arg9[%get3A_113] {strides = array<i32>} : memref<800xi32, #tpu.memory_space<vmem>>, vector<16xi32>,
            tpu.vector_store_idx %arg13[%sub3A, %get3A_112], %get3A_114 masked %and3A {add = true} : memref<96x1280xi32, #tpu.memory_space<vmem>>[vector<16xi32>, vector<16xi32>], vector<16xi32>, vector<16xi1>
          }
          %while3A_76 = arith.constant 1 : i32
          scf.for %while3A_102 = %while3A_74 to %while3A_70 step %while3A_76  : i32 {
            %mul3A_103 = arith.constant 16 : i32
            %mul3A_104 = arith.muli %while3A_102, %mul3A_103 : i32
            %get3A = arith.index_cast %mul3A_104 : i32 to index
            %get3A_105 = tpu.vector_load %arg7[%get3A] {strides = array<i32>} : memref<800xi32, #tpu.memory_space<vmem>>, vector<16xi32>,
            %sub3A = arith.subi %get3A_105, %add3A_21 : vector<16xi32>
            %ge3A = arith.constant 0 : i32
            %ge3A_106 = vector.broadcast %ge3A : i32 to vector<16xi32>
            %ge3A_107 = arith.cmpi sge, %sub3A, %ge3A_106 : vector<16xi32>
            %lt3A_108 = arith.constant 96 : i32
            %lt3A_109 = vector.broadcast %lt3A_108 : i32 to vector<16xi32>
            %lt3A_110 = arith.cmpi slt, %sub3A, %lt3A_109 : vector<16xi32>
            %and3A = arith.andi %ge3A_107, %lt3A_110 : vector<16xi1>
            %get3A_111 = arith.index_cast %mul3A_104 : i32 to index
            %get3A_112 = tpu.vector_load %arg8[%get3A_111] {strides = array<i32>} : memref<800xi32, #tpu.memory_space<vmem>>, vector<16xi32>,
            %get3A_113 = arith.index_cast %mul3A_104 : i32 to index
            %get3A_114 = tpu.vector_load %arg9[%get3A_113] {strides = array<i32>} : memref<800xi32, #tpu.memory_space<vmem>>, vector<16xi32>,
            tpu.vector_store_idx %arg13[%sub3A, %get3A_112], %get3A_114 masked %and3A {add = true} : memref<96x1280xi32, #tpu.memory_space<vmem>>[vector<16xi32>, vector<16xi32>], vector<16xi32>, vector<16xi1>
          }
          %lt3A_77 = arith.constant 99 : i32
          %lt3A_78 = arith.cmpi slt, %while3A_44, %lt3A_77 : i32
          %convert_element_type3A_79 = arith.extui %lt3A_78 : i1 to i32
          %cond3A_80 = arith.constant 0 : i32
          %cond3A_81 = arith.cmpi ne, %convert_element_type3A_79, %cond3A_80 : i32
          scf.if %cond3A_81 {
            %add3A_102 = arith.constant 2 : i32
            %add3A_103 = arith.addi %mul3A_46, %add3A_102 : i32
            %mul3A_104 = arith.constant 800 : i32
            %mul3A_105 = arith.muli %add3A_103, %mul3A_104 : i32
            %multiple_of3A_106 = tpu.assume_multiple %mul3A_105, 800 : i32
            %dma_start3A_107 = tpu.memref_slice %arg2[%multiple_of3A_106] : memref<160000xi32, #tpu.memory_space<hbm>> -> memref<800xi32, #tpu.memory_space<hbm>>
            %dma_start3A_108 = tpu.memref_slice %arg2[%multiple_of3A_106] : memref<160000xi32, #tpu.memory_space<hbm>> -> memref<800xi32, #tpu.memory_space<hbm>>
            tpu.enqueue_dma source(%dma_start3A_108 : memref<800xi32, #tpu.memory_space<hbm>>) target(%arg7 : memref<800xi32, #tpu.memory_space<vmem>>) target_semaphore(%arg14 : memref<!tpu.dma_semaphore, #tpu.memory_space<semaphore_mem>>)
            %dma_start3A_109 = tpu.memref_slice %arg3[%multiple_of3A_106] : memref<160000xi32, #tpu.memory_space<hbm>> -> memref<800xi32, #tpu.memory_space<hbm>>
            %dma_start3A_110 = tpu.memref_slice %arg3[%multiple_of3A_106] : memref<160000xi32, #tpu.memory_space<hbm>> -> memref<800xi32, #tpu.memory_space<hbm>>
            tpu.enqueue_dma source(%dma_start3A_110 : memref<800xi32, #tpu.memory_space<hbm>>) target(%arg8 : memref<800xi32, #tpu.memory_space<vmem>>) target_semaphore(%arg14 : memref<!tpu.dma_semaphore, #tpu.memory_space<semaphore_mem>>)
            %dma_start3A_111 = tpu.memref_slice %arg4[%multiple_of3A_106] : memref<160000xi32, #tpu.memory_space<hbm>> -> memref<800xi32, #tpu.memory_space<hbm>>
            %dma_start3A_112 = tpu.memref_slice %arg4[%multiple_of3A_106] : memref<160000xi32, #tpu.memory_space<hbm>> -> memref<800xi32, #tpu.memory_space<hbm>>
            tpu.enqueue_dma source(%dma_start3A_112 : memref<800xi32, #tpu.memory_space<hbm>>) target(%arg9 : memref<800xi32, #tpu.memory_space<vmem>>) target_semaphore(%arg14 : memref<!tpu.dma_semaphore, #tpu.memory_space<semaphore_mem>>)
          } else {
          }
          %dma_wait3A_82 = arith.constant 0 : i32
          %dma_wait3A_83 = tpu.memref_slice %arg2[%dma_wait3A_82] : memref<160000xi32, #tpu.memory_space<hbm>> -> memref<800xi32, #tpu.memory_space<hbm>>
          %dma_wait3A_84 = tpu.memref_slice %arg2[%dma_wait3A_82] : memref<160000xi32, #tpu.memory_space<hbm>> -> memref<800xi32, #tpu.memory_space<hbm>>
          tpu.wait_dma2 semaphore(%arg15 : memref<!tpu.dma_semaphore, #tpu.memory_space<semaphore_mem>>) src(%dma_wait3A_84 : memref<800xi32, #tpu.memory_space<hbm>>) dst(%arg10 : memref<800xi32, #tpu.memory_space<vmem>>)
          %dma_wait3A_85 = arith.constant 0 : i32
          %dma_wait3A_86 = tpu.memref_slice %arg3[%dma_wait3A_85] : memref<160000xi32, #tpu.memory_space<hbm>> -> memref<800xi32, #tpu.memory_space<hbm>>
          %dma_wait3A_87 = tpu.memref_slice %arg3[%dma_wait3A_85] : memref<160000xi32, #tpu.memory_space<hbm>> -> memref<800xi32, #tpu.memory_space<hbm>>
          tpu.wait_dma2 semaphore(%arg15 : memref<!tpu.dma_semaphore, #tpu.memory_space<semaphore_mem>>) src(%dma_wait3A_87 : memref<800xi32, #tpu.memory_space<hbm>>) dst(%arg11 : memref<800xi32, #tpu.memory_space<vmem>>)
          %dma_wait3A_88 = arith.constant 0 : i32
          %dma_wait3A_89 = tpu.memref_slice %arg4[%dma_wait3A_88] : memref<160000xi32, #tpu.memory_space<hbm>> -> memref<800xi32, #tpu.memory_space<hbm>>
          %dma_wait3A_90 = tpu.memref_slice %arg4[%dma_wait3A_88] : memref<160000xi32, #tpu.memory_space<hbm>> -> memref<800xi32, #tpu.memory_space<hbm>>
          tpu.wait_dma2 semaphore(%arg15 : memref<!tpu.dma_semaphore, #tpu.memory_space<semaphore_mem>>) src(%dma_wait3A_90 : memref<800xi32, #tpu.memory_space<hbm>>) dst(%arg12 : memref<800xi32, #tpu.memory_space<vmem>>)
          %while3A_91 = arith.constant 0 : i32
          %while3A_92 = arith.constant 0 : i32
          %while3A_93 = arith.constant 50 : i32
          %while3A_94 = arith.subi %while3A_93, %while3A_92 : i32
          %while3A_95 = arith.addi %while3A_92, %while3A_94 : i32
          %while3A_96 = arith.constant 1 : i32
          %while3A_97 = arith.divsi %while3A_94, %while3A_96 : i32
          %while3A_98 = arith.muli %while3A_97, %while3A_96 : i32
          %while3A_99 = arith.addi %while3A_92, %while3A_98 : i32
          %while3A_100 = arith.constant 1 : i32
          scf.for %while3A_102 = %while3A_92 to %while3A_99 step %while3A_100  : i32 {
            %mul3A_103 = arith.constant 16 : i32
            %mul3A_104 = arith.muli %while3A_102, %mul3A_103 : i32
            %get3A = arith.index_cast %mul3A_104 : i32 to index
            %get3A_105 = tpu.vector_load %arg10[%get3A] {strides = array<i32>} : memref<800xi32, #tpu.memory_space<vmem>>, vector<16xi32>,
            %sub3A = arith.subi %get3A_105, %add3A_21 : vector<16xi32>
            %ge3A = arith.constant 0 : i32
            %ge3A_106 = vector.broadcast %ge3A : i32 to vector<16xi32>
            %ge3A_107 = arith.cmpi sge, %sub3A, %ge3A_106 : vector<16xi32>
            %lt3A_108 = arith.constant 96 : i32
            %lt3A_109 = vector.broadcast %lt3A_108 : i32 to vector<16xi32>
            %lt3A_110 = arith.cmpi slt, %sub3A, %lt3A_109 : vector<16xi32>
            %and3A = arith.andi %ge3A_107, %lt3A_110 : vector<16xi1>
            %get3A_111 = arith.index_cast %mul3A_104 : i32 to index
            %get3A_112 = tpu.vector_load %arg11[%get3A_111] {strides = array<i32>} : memref<800xi32, #tpu.memory_space<vmem>>, vector<16xi32>,
            %get3A_113 = arith.index_cast %mul3A_104 : i32 to index
            %get3A_114 = tpu.vector_load %arg12[%get3A_113] {strides = array<i32>} : memref<800xi32, #tpu.memory_space<vmem>>, vector<16xi32>,
            tpu.vector_store_idx %arg13[%sub3A, %get3A_112], %get3A_114 masked %and3A {add = true} : memref<96x1280xi32, #tpu.memory_space<vmem>>[vector<16xi32>, vector<16xi32>], vector<16xi32>, vector<16xi1>
          }
          %while3A_101 = arith.constant 1 : i32
          scf.for %while3A_102 = %while3A_99 to %while3A_95 step %while3A_101  : i32 {
            %mul3A_103 = arith.constant 16 : i32
            %mul3A_104 = arith.muli %while3A_102, %mul3A_103 : i32
            %get3A = arith.index_cast %mul3A_104 : i32 to index
            %get3A_105 = tpu.vector_load %arg10[%get3A] {strides = array<i32>} : memref<800xi32, #tpu.memory_space<vmem>>, vector<16xi32>,
            %sub3A = arith.subi %get3A_105, %add3A_21 : vector<16xi32>
            %ge3A = arith.constant 0 : i32
            %ge3A_106 = vector.broadcast %ge3A : i32 to vector<16xi32>
            %ge3A_107 = arith.cmpi sge, %sub3A, %ge3A_106 : vector<16xi32>
            %lt3A_108 = arith.constant 96 : i32
            %lt3A_109 = vector.broadcast %lt3A_108 : i32 to vector<16xi32>
            %lt3A_110 = arith.cmpi slt, %sub3A, %lt3A_109 : vector<16xi32>
            %and3A = arith.andi %ge3A_107, %lt3A_110 : vector<16xi1>
            %get3A_111 = arith.index_cast %mul3A_104 : i32 to index
            %get3A_112 = tpu.vector_load %arg11[%get3A_111] {strides = array<i32>} : memref<800xi32, #tpu.memory_space<vmem>>, vector<16xi32>,
            %get3A_113 = arith.index_cast %mul3A_104 : i32 to index
            %get3A_114 = tpu.vector_load %arg12[%get3A_113] {strides = array<i32>} : memref<800xi32, #tpu.memory_space<vmem>>, vector<16xi32>,
            tpu.vector_store_idx %arg13[%sub3A, %get3A_112], %get3A_114 masked %and3A {add = true} : memref<96x1280xi32, #tpu.memory_space<vmem>>[vector<16xi32>, vector<16xi32>], vector<16xi32>, vector<16xi1>
          }
        }
        %while3A_40 = arith.constant 1 : i32
        scf.for %while3A_44 = %while3A_38 to %while3A_34 step %while3A_40  : i32 {
          %mul3A_45 = arith.constant 2 : i32
          %mul3A_46 = arith.muli %while3A_44, %mul3A_45 : i32
          %add3A_47 = arith.constant 1 : i32
          %add3A_48 = arith.addi %mul3A_46, %add3A_47 : i32
          %mul3A_49 = arith.constant 800 : i32
          %mul3A_50 = arith.muli %add3A_48, %mul3A_49 : i32
          %multiple_of3A_51 = tpu.assume_multiple %mul3A_50, 800 : i32
          %dma_start3A_52 = tpu.memref_slice %arg2[%multiple_of3A_51] : memref<160000xi32, #tpu.memory_space<hbm>> -> memref<800xi32, #tpu.memory_space<hbm>>
          %dma_start3A_53 = tpu.memref_slice %arg2[%multiple_of3A_51] : memref<160000xi32, #tpu.memory_space<hbm>> -> memref<800xi32, #tpu.memory_space<hbm>>
          tpu.enqueue_dma source(%dma_start3A_53 : memref<800xi32, #tpu.memory_space<hbm>>) target(%arg10 : memref<800xi32, #tpu.memory_space<vmem>>) target_semaphore(%arg15 : memref<!tpu.dma_semaphore, #tpu.memory_space<semaphore_mem>>)
          %dma_start3A_54 = tpu.memref_slice %arg3[%multiple_of3A_51] : memref<160000xi32, #tpu.memory_space<hbm>> -> memref<800xi32, #tpu.memory_space<hbm>>
          %dma_start3A_55 = tpu.memref_slice %arg3[%multiple_of3A_51] : memref<160000xi32, #tpu.memory_space<hbm>> -> memref<800xi32, #tpu.memory_space<hbm>>
          tpu.enqueue_dma source(%dma_start3A_55 : memref<800xi32, #tpu.memory_space<hbm>>) target(%arg11 : memref<800xi32, #tpu.memory_space<vmem>>) target_semaphore(%arg15 : memref<!tpu.dma_semaphore, #tpu.memory_space<semaphore_mem>>)
          %dma_start3A_56 = tpu.memref_slice %arg4[%multiple_of3A_51] : memref<160000xi32, #tpu.memory_space<hbm>> -> memref<800xi32, #tpu.memory_space<hbm>>
          %dma_start3A_57 = tpu.memref_slice %arg4[%multiple_of3A_51] : memref<160000xi32, #tpu.memory_space<hbm>> -> memref<800xi32, #tpu.memory_space<hbm>>
          tpu.enqueue_dma source(%dma_start3A_57 : memref<800xi32, #tpu.memory_space<hbm>>) target(%arg12 : memref<800xi32, #tpu.memory_space<vmem>>) target_semaphore(%arg15 : memref<!tpu.dma_semaphore, #tpu.memory_space<semaphore_mem>>)
          %dma_wait3A = arith.constant 0 : i32
          %dma_wait3A_58 = tpu.memref_slice %arg2[%dma_wait3A] : memref<160000xi32, #tpu.memory_space<hbm>> -> memref<800xi32, #tpu.memory_space<hbm>>
          %dma_wait3A_59 = tpu.memref_slice %arg2[%dma_wait3A] : memref<160000xi32, #tpu.memory_space<hbm>> -> memref<800xi32, #tpu.memory_space<hbm>>
          tpu.wait_dma2 semaphore(%arg14 : memref<!tpu.dma_semaphore, #tpu.memory_space<semaphore_mem>>) src(%dma_wait3A_59 : memref<800xi32, #tpu.memory_space<hbm>>) dst(%arg7 : memref<800xi32, #tpu.memory_space<vmem>>)
          %dma_wait3A_60 = arith.constant 0 : i32
          %dma_wait3A_61 = tpu.memref_slice %arg3[%dma_wait3A_60] : memref<160000xi32, #tpu.memory_space<hbm>> -> memref<800xi32, #tpu.memory_space<hbm>>
          %dma_wait3A_62 = tpu.memref_slice %arg3[%dma_wait3A_60] : memref<160000xi32, #tpu.memory_space<hbm>> -> memref<800xi32, #tpu.memory_space<hbm>>
          tpu.wait_dma2 semaphore(%arg14 : memref<!tpu.dma_semaphore, #tpu.memory_space<semaphore_mem>>) src(%dma_wait3A_62 : memref<800xi32, #tpu.memory_space<hbm>>) dst(%arg8 : memref<800xi32, #tpu.memory_space<vmem>>)
          %dma_wait3A_63 = arith.constant 0 : i32
          %dma_wait3A_64 = tpu.memref_slice %arg4[%dma_wait3A_63] : memref<160000xi32, #tpu.memory_space<hbm>> -> memref<800xi32, #tpu.memory_space<hbm>>
          %dma_wait3A_65 = tpu.memref_slice %arg4[%dma_wait3A_63] : memref<160000xi32, #tpu.memory_space<hbm>> -> memref<800xi32, #tpu.memory_space<hbm>>
          tpu.wait_dma2 semaphore(%arg14 : memref<!tpu.dma_semaphore, #tpu.memory_space<semaphore_mem>>) src(%dma_wait3A_65 : memref<800xi32, #tpu.memory_space<hbm>>) dst(%arg9 : memref<800xi32, #tpu.memory_space<vmem>>)
          %while3A_66 = arith.constant 0 : i32
          %while3A_67 = arith.constant 0 : i32
          %while3A_68 = arith.constant 50 : i32
          %while3A_69 = arith.subi %while3A_68, %while3A_67 : i32
          %while3A_70 = arith.addi %while3A_67, %while3A_69 : i32
          %while3A_71 = arith.constant 1 : i32
          %while3A_72 = arith.divsi %while3A_69, %while3A_71 : i32
          %while3A_73 = arith.muli %while3A_72, %while3A_71 : i32
          %while3A_74 = arith.addi %while3A_67, %while3A_73 : i32
          %while3A_75 = arith.constant 1 : i32
          scf.for %while3A_102 = %while3A_67 to %while3A_74 step %while3A_75  : i32 {
            %mul3A_103 = arith.constant 16 : i32
            %mul3A_104 = arith.muli %while3A_102, %mul3A_103 : i32
            %get3A = arith.index_cast %mul3A_104 : i32 to index
            %get3A_105 = tpu.vector_load %arg7[%get3A] {strides = array<i32>} : memref<800xi32, #tpu.memory_space<vmem>>, vector<16xi32>,
            %sub3A = arith.subi %get3A_105, %add3A_21 : vector<16xi32>
            %ge3A = arith.constant 0 : i32
            %ge3A_106 = vector.broadcast %ge3A : i32 to vector<16xi32>
            %ge3A_107 = arith.cmpi sge, %sub3A, %ge3A_106 : vector<16xi32>
            %lt3A_108 = arith.constant 96 : i32
            %lt3A_109 = vector.broadcast %lt3A_108 : i32 to vector<16xi32>
            %lt3A_110 = arith.cmpi slt, %sub3A, %lt3A_109 : vector<16xi32>
            %and3A = arith.andi %ge3A_107, %lt3A_110 : vector<16xi1>
            %get3A_111 = arith.index_cast %mul3A_104 : i32 to index
            %get3A_112 = tpu.vector_load %arg8[%get3A_111] {strides = array<i32>} : memref<800xi32, #tpu.memory_space<vmem>>, vector<16xi32>,
            %get3A_113 = arith.index_cast %mul3A_104 : i32 to index
            %get3A_114 = tpu.vector_load %arg9[%get3A_113] {strides = array<i32>} : memref<800xi32, #tpu.memory_space<vmem>>, vector<16xi32>,
            tpu.vector_store_idx %arg13[%sub3A, %get3A_112], %get3A_114 masked %and3A {add = true} : memref<96x1280xi32, #tpu.memory_space<vmem>>[vector<16xi32>, vector<16xi32>], vector<16xi32>, vector<16xi1>
          }
          %while3A_76 = arith.constant 1 : i32
          scf.for %while3A_102 = %while3A_74 to %while3A_70 step %while3A_76  : i32 {
            %mul3A_103 = arith.constant 16 : i32
            %mul3A_104 = arith.muli %while3A_102, %mul3A_103 : i32
            %get3A = arith.index_cast %mul3A_104 : i32 to index
            %get3A_105 = tpu.vector_load %arg7[%get3A] {strides = array<i32>} : memref<800xi32, #tpu.memory_space<vmem>>, vector<16xi32>,
            %sub3A = arith.subi %get3A_105, %add3A_21 : vector<16xi32>
            %ge3A = arith.constant 0 : i32
            %ge3A_106 = vector.broadcast %ge3A : i32 to vector<16xi32>
            %ge3A_107 = arith.cmpi sge, %sub3A, %ge3A_106 : vector<16xi32>
            %lt3A_108 = arith.constant 96 : i32
            %lt3A_109 = vector.broadcast %lt3A_108 : i32 to vector<16xi32>
            %lt3A_110 = arith.cmpi slt, %sub3A, %lt3A_109 : vector<16xi32>
            %and3A = arith.andi %ge3A_107, %lt3A_110 : vector<16xi1>
            %get3A_111 = arith.index_cast %mul3A_104 : i32 to index
            %get3A_112 = tpu.vector_load %arg8[%get3A_111] {strides = array<i32>} : memref<800xi32, #tpu.memory_space<vmem>>, vector<16xi32>,
            %get3A_113 = arith.index_cast %mul3A_104 : i32 to index
            %get3A_114 = tpu.vector_load %arg9[%get3A_113] {strides = array<i32>} : memref<800xi32, #tpu.memory_space<vmem>>, vector<16xi32>,
            tpu.vector_store_idx %arg13[%sub3A, %get3A_112], %get3A_114 masked %and3A {add = true} : memref<96x1280xi32, #tpu.memory_space<vmem>>[vector<16xi32>, vector<16xi32>], vector<16xi32>, vector<16xi1>
          }
          %lt3A_77 = arith.constant 99 : i32
          %lt3A_78 = arith.cmpi slt, %while3A_44, %lt3A_77 : i32
          %convert_element_type3A_79 = arith.extui %lt3A_78 : i1 to i32
          %cond3A_80 = arith.constant 0 : i32
          %cond3A_81 = arith.cmpi ne, %convert_element_type3A_79, %cond3A_80 : i32
          scf.if %cond3A_81 {
            %add3A_102 = arith.constant 2 : i32
            %add3A_103 = arith.addi %mul3A_46, %add3A_102 : i32
            %mul3A_104 = arith.constant 800 : i32
            %mul3A_105 = arith.muli %add3A_103, %mul3A_104 : i32
            %multiple_of3A_106 = tpu.assume_multiple %mul3A_105, 800 : i32
            %dma_start3A_107 = tpu.memref_slice %arg2[%multiple_of3A_106] : memref<160000xi32, #tpu.memory_space<hbm>> -> memref<800xi32, #tpu.memory_space<hbm>>
            %dma_start3A_108 = tpu.memref_slice %arg2[%multiple_of3A_106] : memref<160000xi32, #tpu.memory_space<hbm>> -> memref<800xi32, #tpu.memory_space<hbm>>
            tpu.enqueue_dma source(%dma_start3A_108 : memref<800xi32, #tpu.memory_space<hbm>>) target(%arg7 : memref<800xi32, #tpu.memory_space<vmem>>) target_semaphore(%arg14 : memref<!tpu.dma_semaphore, #tpu.memory_space<semaphore_mem>>)
            %dma_start3A_109 = tpu.memref_slice %arg3[%multiple_of3A_106] : memref<160000xi32, #tpu.memory_space<hbm>> -> memref<800xi32, #tpu.memory_space<hbm>>
            %dma_start3A_110 = tpu.memref_slice %arg3[%multiple_of3A_106] : memref<160000xi32, #tpu.memory_space<hbm>> -> memref<800xi32, #tpu.memory_space<hbm>>
            tpu.enqueue_dma source(%dma_start3A_110 : memref<800xi32, #tpu.memory_space<hbm>>) target(%arg8 : memref<800xi32, #tpu.memory_space<vmem>>) target_semaphore(%arg14 : memref<!tpu.dma_semaphore, #tpu.memory_space<semaphore_mem>>)
            %dma_start3A_111 = tpu.memref_slice %arg4[%multiple_of3A_106] : memref<160000xi32, #tpu.memory_space<hbm>> -> memref<800xi32, #tpu.memory_space<hbm>>
            %dma_start3A_112 = tpu.memref_slice %arg4[%multiple_of3A_106] : memref<160000xi32, #tpu.memory_space<hbm>> -> memref<800xi32, #tpu.memory_space<hbm>>
            tpu.enqueue_dma source(%dma_start3A_112 : memref<800xi32, #tpu.memory_space<hbm>>) target(%arg9 : memref<800xi32, #tpu.memory_space<vmem>>) target_semaphore(%arg14 : memref<!tpu.dma_semaphore, #tpu.memory_space<semaphore_mem>>)
          } else {
          }
          %dma_wait3A_82 = arith.constant 0 : i32
          %dma_wait3A_83 = tpu.memref_slice %arg2[%dma_wait3A_82] : memref<160000xi32, #tpu.memory_space<hbm>> -> memref<800xi32, #tpu.memory_space<hbm>>
          %dma_wait3A_84 = tpu.memref_slice %arg2[%dma_wait3A_82] : memref<160000xi32, #tpu.memory_space<hbm>> -> memref<800xi32, #tpu.memory_space<hbm>>
          tpu.wait_dma2 semaphore(%arg15 : memref<!tpu.dma_semaphore, #tpu.memory_space<semaphore_mem>>) src(%dma_wait3A_84 : memref<800xi32, #tpu.memory_space<hbm>>) dst(%arg10 : memref<800xi32, #tpu.memory_space<vmem>>)
          %dma_wait3A_85 = arith.constant 0 : i32
          %dma_wait3A_86 = tpu.memref_slice %arg3[%dma_wait3A_85] : memref<160000xi32, #tpu.memory_space<hbm>> -> memref<800xi32, #tpu.memory_space<hbm>>
          %dma_wait3A_87 = tpu.memref_slice %arg3[%dma_wait3A_85] : memref<160000xi32, #tpu.memory_space<hbm>> -> memref<800xi32, #tpu.memory_space<hbm>>
          tpu.wait_dma2 semaphore(%arg15 : memref<!tpu.dma_semaphore, #tpu.memory_space<semaphore_mem>>) src(%dma_wait3A_87 : memref<800xi32, #tpu.memory_space<hbm>>) dst(%arg11 : memref<800xi32, #tpu.memory_space<vmem>>)
          %dma_wait3A_88 = arith.constant 0 : i32
          %dma_wait3A_89 = tpu.memref_slice %arg4[%dma_wait3A_88] : memref<160000xi32, #tpu.memory_space<hbm>> -> memref<800xi32, #tpu.memory_space<hbm>>
          %dma_wait3A_90 = tpu.memref_slice %arg4[%dma_wait3A_88] : memref<160000xi32, #tpu.memory_space<hbm>> -> memref<800xi32, #tpu.memory_space<hbm>>
          tpu.wait_dma2 semaphore(%arg15 : memref<!tpu.dma_semaphore, #tpu.memory_space<semaphore_mem>>) src(%dma_wait3A_90 : memref<800xi32, #tpu.memory_space<hbm>>) dst(%arg12 : memref<800xi32, #tpu.memory_space<vmem>>)
          %while3A_91 = arith.constant 0 : i32
          %while3A_92 = arith.constant 0 : i32
          %while3A_93 = arith.constant 50 : i32
          %while3A_94 = arith.subi %while3A_93, %while3A_92 : i32
          %while3A_95 = arith.addi %while3A_92, %while3A_94 : i32
          %while3A_96 = arith.constant 1 : i32
          %while3A_97 = arith.divsi %while3A_94, %while3A_96 : i32
          %while3A_98 = arith.muli %while3A_97, %while3A_96 : i32
          %while3A_99 = arith.addi %while3A_92, %while3A_98 : i32
          %while3A_100 = arith.constant 1 : i32
          scf.for %while3A_102 = %while3A_92 to %while3A_99 step %while3A_100  : i32 {
            %mul3A_103 = arith.constant 16 : i32
            %mul3A_104 = arith.muli %while3A_102, %mul3A_103 : i32
            %get3A = arith.index_cast %mul3A_104 : i32 to index
            %get3A_105 = tpu.vector_load %arg10[%get3A] {strides = array<i32>} : memref<800xi32, #tpu.memory_space<vmem>>, vector<16xi32>,
            %sub3A = arith.subi %get3A_105, %add3A_21 : vector<16xi32>
            %ge3A = arith.constant 0 : i32
            %ge3A_106 = vector.broadcast %ge3A : i32 to vector<16xi32>
            %ge3A_107 = arith.cmpi sge, %sub3A, %ge3A_106 : vector<16xi32>
            %lt3A_108 = arith.constant 96 : i32
            %lt3A_109 = vector.broadcast %lt3A_108 : i32 to vector<16xi32>
            %lt3A_110 = arith.cmpi slt, %sub3A, %lt3A_109 : vector<16xi32>
            %and3A = arith.andi %ge3A_107, %lt3A_110 : vector<16xi1>
            %get3A_111 = arith.index_cast %mul3A_104 : i32 to index
            %get3A_112 = tpu.vector_load %arg11[%get3A_111] {strides = array<i32>} : memref<800xi32, #tpu.memory_space<vmem>>, vector<16xi32>,
            %get3A_113 = arith.index_cast %mul3A_104 : i32 to index
            %get3A_114 = tpu.vector_load %arg12[%get3A_113] {strides = array<i32>} : memref<800xi32, #tpu.memory_space<vmem>>, vector<16xi32>,
            tpu.vector_store_idx %arg13[%sub3A, %get3A_112], %get3A_114 masked %and3A {add = true} : memref<96x1280xi32, #tpu.memory_space<vmem>>[vector<16xi32>, vector<16xi32>], vector<16xi32>, vector<16xi1>
          }
          %while3A_101 = arith.constant 1 : i32
          scf.for %while3A_102 = %while3A_99 to %while3A_95 step %while3A_101  : i32 {
            %mul3A_103 = arith.constant 16 : i32
            %mul3A_104 = arith.muli %while3A_102, %mul3A_103 : i32
            %get3A = arith.index_cast %mul3A_104 : i32 to index
            %get3A_105 = tpu.vector_load %arg10[%get3A] {strides = array<i32>} : memref<800xi32, #tpu.memory_space<vmem>>, vector<16xi32>,
            %sub3A = arith.subi %get3A_105, %add3A_21 : vector<16xi32>
            %ge3A = arith.constant 0 : i32
            %ge3A_106 = vector.broadcast %ge3A : i32 to vector<16xi32>
            %ge3A_107 = arith.cmpi sge, %sub3A, %ge3A_106 : vector<16xi32>
            %lt3A_108 = arith.constant 96 : i32
            %lt3A_109 = vector.broadcast %lt3A_108 : i32 to vector<16xi32>
            %lt3A_110 = arith.cmpi slt, %sub3A, %lt3A_109 : vector<16xi32>
            %and3A = arith.andi %ge3A_107, %lt3A_110 : vector<16xi1>
            %get3A_111 = arith.index_cast %mul3A_104 : i32 to index
            %get3A_112 = tpu.vector_load %arg11[%get3A_111] {strides = array<i32>} : memref<800xi32, #tpu.memory_space<vmem>>, vector<16xi32>,
            %get3A_113 = arith.index_cast %mul3A_104 : i32 to index
            %get3A_114 = tpu.vector_load %arg12[%get3A_113] {strides = array<i32>} : memref<800xi32, #tpu.memory_space<vmem>>, vector<16xi32>,
            tpu.vector_store_idx %arg13[%sub3A, %get3A_112], %get3A_114 masked %and3A {add = true} : memref<96x1280xi32, #tpu.memory_space<vmem>>[vector<16xi32>, vector<16xi32>], vector<16xi32>, vector<16xi1>
          }
        }
        %mul3A_41 = arith.constant 96 : i32
        %mul3A_42 = arith.muli %add3A_14, %mul3A_41 : i32
        %multiple_of3A_43 = tpu.assume_multiple %mul3A_42, 8 : i32
        "tpu.region"() ({
          %run_scoped3A = tpu.sem_alloc : memref<!tpu.dma_semaphore, #tpu.memory_space<semaphore_mem>>
          %dma_start3A_44 = arith.constant 0 : i32
          %dma_start3A_45 = tpu.memref_slice %arg6[%multiple_of3A_43, %dma_start3A_44] : memref<5376x1280xi32, #tpu.memory_space<hbm>> -> memref<96x1280xi32, #tpu.memory_space<hbm>>
          %dma_start3A_46 = arith.constant 0 : i32
          %dma_start3A_47 = tpu.memref_slice %arg6[%multiple_of3A_43, %dma_start3A_46] : memref<5376x1280xi32, #tpu.memory_space<hbm>> -> memref<96x1280xi32, #tpu.memory_space<hbm>>
          tpu.enqueue_dma source(%arg13 : memref<96x1280xi32, #tpu.memory_space<vmem>>) target(%dma_start3A_47 : memref<96x1280xi32, #tpu.memory_space<hbm>>) target_semaphore(%run_scoped3A : memref<!tpu.dma_semaphore, #tpu.memory_space<semaphore_mem>>)
          %dma_wait3A = arith.constant 0 : i32
          %dma_wait3A_48 = tpu.memref_slice %arg6[%multiple_of3A_43, %dma_wait3A] : memref<5376x1280xi32, #tpu.memory_space<hbm>> -> memref<96x1280xi32, #tpu.memory_space<hbm>>
          %dma_wait3A_49 = arith.constant 0 : i32
          %dma_wait3A_50 = tpu.memref_slice %arg6[%multiple_of3A_43, %dma_wait3A_49] : memref<5376x1280xi32, #tpu.memory_space<hbm>> -> memref<96x1280xi32, #tpu.memory_space<hbm>>
          tpu.wait_dma2 semaphore(%run_scoped3A : memref<!tpu.dma_semaphore, #tpu.memory_space<semaphore_mem>>) src(%arg13 : memref<96x1280xi32, #tpu.memory_space<vmem>>) dst(%dma_wait3A_50 : memref<96x1280xi32, #tpu.memory_space<hbm>>)
          tpu.yield
        }) : () -> ()
      } else {
      }
    }
    %while3A_10 = arith.constant 1 : i32
    scf.for %while3A_11 = %while3A_8 to %while3A_4 step %while3A_10  : i32 {
      %mul3A_12 = arith.constant 32 : i32
      %mul3A_13 = arith.muli %while3A_11, %mul3A_12 : i32
      %add3A_14 = arith.addi %mul3A_13, %add3A : i32
      %lt3A = arith.constant 56 : i32
      %lt3A_15 = arith.cmpi slt, %add3A_14, %lt3A : i32
      %convert_element_type3A = arith.extui %lt3A_15 : i1 to i32
      %cond3A = arith.constant 0 : i32
      %cond3A_16 = arith.cmpi ne, %convert_element_type3A, %cond3A : i32
      scf.if %cond3A_16 {
        %mul3A_17 = arith.constant 96 : i32
        %mul3A_18 = arith.muli %add3A_14, %mul3A_17 : i32
        "tpu.region"() ({
          %run_scoped3A = tpu.sem_alloc : memref<!tpu.dma_semaphore, #tpu.memory_space<semaphore_mem>>
          tpu.enqueue_dma source(%arg5 : memref<96x1280xi32, #tpu.memory_space<hbm>>) target(%arg13 : memref<96x1280xi32, #tpu.memory_space<vmem>>) target_semaphore(%run_scoped3A : memref<!tpu.dma_semaphore, #tpu.memory_space<semaphore_mem>>)
          tpu.wait_dma2 semaphore(%run_scoped3A : memref<!tpu.dma_semaphore, #tpu.memory_space<semaphore_mem>>) src(%arg5 : memref<96x1280xi32, #tpu.memory_space<hbm>>) dst(%arg13 : memref<96x1280xi32, #tpu.memory_space<vmem>>)
          tpu.yield
        }) : () -> ()
        %broadcast_in_dim3A = arith.constant 0 : i32
        %broadcast_in_dim3A_19 = vector.broadcast %broadcast_in_dim3A : i32 to vector<16xi32>
        %add3A_20 = vector.broadcast %mul3A_18 : i32 to vector<16xi32>
        %add3A_21 = arith.addi %broadcast_in_dim3A_19, %add3A_20 : vector<16xi32>
        %mul3A_22 = arith.constant 0 : i32
        %mul3A_23 = arith.constant 800 : i32
        %mul3A_24 = arith.muli %mul3A_22, %mul3A_23 : i32
        %multiple_of3A = tpu.assume_multiple %mul3A_24, 800 : i32
        %dma_start3A = tpu.memref_slice %arg2[%multiple_of3A] : memref<160000xi32, #tpu.memory_space<hbm>> -> memref<800xi32, #tpu.memory_space<hbm>>
        %dma_start3A_25 = tpu.memref_slice %arg2[%multiple_of3A] : memref<160000xi32, #tpu.memory_space<hbm>> -> memref<800xi32, #tpu.memory_space<hbm>>
        tpu.enqueue_dma source(%dma_start3A_25 : memref<800xi32, #tpu.memory_space<hbm>>) target(%arg7 : memref<800xi32, #tpu.memory_space<vmem>>) target_semaphore(%arg14 : memref<!tpu.dma_semaphore, #tpu.memory_space<semaphore_mem>>)
        %dma_start3A_26 = tpu.memref_slice %arg3[%multiple_of3A] : memref<160000xi32, #tpu.memory_space<hbm>> -> memref<800xi32, #tpu.memory_space<hbm>>
        %dma_start3A_27 = tpu.memref_slice %arg3[%multiple_of3A] : memref<160000xi32, #tpu.memory_space<hbm>> -> memref<800xi32, #tpu.memory_space<hbm>>
        tpu.enqueue_dma source(%dma_start3A_27 : memref<800xi32, #tpu.memory_space<hbm>>) target(%arg8 : memref<800xi32, #tpu.memory_space<vmem>>) target_semaphore(%arg14 : memref<!tpu.dma_semaphore, #tpu.memory_space<semaphore_mem>>)
        %dma_start3A_28 = tpu.memref_slice %arg4[%multiple_of3A] : memref<160000xi32, #tpu.memory_space<hbm>> -> memref<800xi32, #tpu.memory_space<hbm>>
        %dma_start3A_29 = tpu.memref_slice %arg4[%multiple_of3A] : memref<160000xi32, #tpu.memory_space<hbm>> -> memref<800xi32, #tpu.memory_space<hbm>>
        tpu.enqueue_dma source(%dma_start3A_29 : memref<800xi32, #tpu.memory_space<hbm>>) target(%arg9 : memref<800xi32, #tpu.memory_space<vmem>>) target_semaphore(%arg14 : memref<!tpu.dma_semaphore, #tpu.memory_space<semaphore_mem>>)
        %while3A_30 = arith.constant 0 : i32
        %while3A_31 = arith.constant 0 : i32
        %while3A_32 = arith.constant 100 : i32
        %while3A_33 = arith.subi %while3A_32, %while3A_31 : i32
        %while3A_34 = arith.addi %while3A_31, %while3A_33 : i32
        %while3A_35 = arith.constant 1 : i32
        %while3A_36 = arith.divsi %while3A_33, %while3A_35 : i32
        %while3A_37 = arith.muli %while3A_36, %while3A_35 : i32
        %while3A_38 = arith.addi %while3A_31, %while3A_37 : i32
        %while3A_39 = arith.constant 1 : i32
        scf.for %while3A_44 = %while3A_31 to %while3A_38 step %while3A_39  : i32 {
          %mul3A_45 = arith.constant 2 : i32
          %mul3A_46 = arith.muli %while3A_44, %mul3A_45 : i32
          %add3A_47 = arith.constant 1 : i32
          %add3A_48 = arith.addi %mul3A_46, %add3A_47 : i32
          %mul3A_49 = arith.constant 800 : i32
          %mul3A_50 = arith.muli %add3A_48, %mul3A_49 : i32
          %multiple_of3A_51 = tpu.assume_multiple %mul3A_50, 800 : i32
          %dma_start3A_52 = tpu.memref_slice %arg2[%multiple_of3A_51] : memref<160000xi32, #tpu.memory_space<hbm>> -> memref<800xi32, #tpu.memory_space<hbm>>
          %dma_start3A_53 = tpu.memref_slice %arg2[%multiple_of3A_51] : memref<160000xi32, #tpu.memory_space<hbm>> -> memref<800xi32, #tpu.memory_space<hbm>>
          tpu.enqueue_dma source(%dma_start3A_53 : memref<800xi32, #tpu.memory_space<hbm>>) target(%arg10 : memref<800xi32, #tpu.memory_space<vmem>>) target_semaphore(%arg15 : memref<!tpu.dma_semaphore, #tpu.memory_space<semaphore_mem>>)
          %dma_start3A_54 = tpu.memref_slice %arg3[%multiple_of3A_51] : memref<160000xi32, #tpu.memory_space<hbm>> -> memref<800xi32, #tpu.memory_space<hbm>>
          %dma_start3A_55 = tpu.memref_slice %arg3[%multiple_of3A_51] : memref<160000xi32, #tpu.memory_space<hbm>> -> memref<800xi32, #tpu.memory_space<hbm>>
          tpu.enqueue_dma source(%dma_start3A_55 : memref<800xi32, #tpu.memory_space<hbm>>) target(%arg11 : memref<800xi32, #tpu.memory_space<vmem>>) target_semaphore(%arg15 : memref<!tpu.dma_semaphore, #tpu.memory_space<semaphore_mem>>)
          %dma_start3A_56 = tpu.memref_slice %arg4[%multiple_of3A_51] : memref<160000xi32, #tpu.memory_space<hbm>> -> memref<800xi32, #tpu.memory_space<hbm>>
          %dma_start3A_57 = tpu.memref_slice %arg4[%multiple_of3A_51] : memref<160000xi32, #tpu.memory_space<hbm>> -> memref<800xi32, #tpu.memory_space<hbm>>
          tpu.enqueue_dma source(%dma_start3A_57 : memref<800xi32, #tpu.memory_space<hbm>>) target(%arg12 : memref<800xi32, #tpu.memory_space<vmem>>) target_semaphore(%arg15 : memref<!tpu.dma_semaphore, #tpu.memory_space<semaphore_mem>>)
          %dma_wait3A = arith.constant 0 : i32
          %dma_wait3A_58 = tpu.memref_slice %arg2[%dma_wait3A] : memref<160000xi32, #tpu.memory_space<hbm>> -> memref<800xi32, #tpu.memory_space<hbm>>
          %dma_wait3A_59 = tpu.memref_slice %arg2[%dma_wait3A] : memref<160000xi32, #tpu.memory_space<hbm>> -> memref<800xi32, #tpu.memory_space<hbm>>
          tpu.wait_dma2 semaphore(%arg14 : memref<!tpu.dma_semaphore, #tpu.memory_space<semaphore_mem>>) src(%dma_wait3A_59 : memref<800xi32, #tpu.memory_space<hbm>>) dst(%arg7 : memref<800xi32, #tpu.memory_space<vmem>>)
          %dma_wait3A_60 = arith.constant 0 : i32
          %dma_wait3A_61 = tpu.memref_slice %arg3[%dma_wait3A_60] : memref<160000xi32, #tpu.memory_space<hbm>> -> memref<800xi32, #tpu.memory_space<hbm>>
          %dma_wait3A_62 = tpu.memref_slice %arg3[%dma_wait3A_60] : memref<160000xi32, #tpu.memory_space<hbm>> -> memref<800xi32, #tpu.memory_space<hbm>>
          tpu.wait_dma2 semaphore(%arg14 : memref<!tpu.dma_semaphore, #tpu.memory_space<semaphore_mem>>) src(%dma_wait3A_62 : memref<800xi32, #tpu.memory_space<hbm>>) dst(%arg8 : memref<800xi32, #tpu.memory_space<vmem>>)
          %dma_wait3A_63 = arith.constant 0 : i32
          %dma_wait3A_64 = tpu.memref_slice %arg4[%dma_wait3A_63] : memref<160000xi32, #tpu.memory_space<hbm>> -> memref<800xi32, #tpu.memory_space<hbm>>
          %dma_wait3A_65 = tpu.memref_slice %arg4[%dma_wait3A_63] : memref<160000xi32, #tpu.memory_space<hbm>> -> memref<800xi32, #tpu.memory_space<hbm>>
          tpu.wait_dma2 semaphore(%arg14 : memref<!tpu.dma_semaphore, #tpu.memory_space<semaphore_mem>>) src(%dma_wait3A_65 : memref<800xi32, #tpu.memory_space<hbm>>) dst(%arg9 : memref<800xi32, #tpu.memory_space<vmem>>)
          %while3A_66 = arith.constant 0 : i32
          %while3A_67 = arith.constant 0 : i32
          %while3A_68 = arith.constant 50 : i32
          %while3A_69 = arith.subi %while3A_68, %while3A_67 : i32
          %while3A_70 = arith.addi %while3A_67, %while3A_69 : i32
          %while3A_71 = arith.constant 1 : i32
          %while3A_72 = arith.divsi %while3A_69, %while3A_71 : i32
          %while3A_73 = arith.muli %while3A_72, %while3A_71 : i32
          %while3A_74 = arith.addi %while3A_67, %while3A_73 : i32
          %while3A_75 = arith.constant 1 : i32
          scf.for %while3A_102 = %while3A_67 to %while3A_74 step %while3A_75  : i32 {
            %mul3A_103 = arith.constant 16 : i32
            %mul3A_104 = arith.muli %while3A_102, %mul3A_103 : i32
            %get3A = arith.index_cast %mul3A_104 : i32 to index
            %get3A_105 = tpu.vector_load %arg7[%get3A] {strides = array<i32>} : memref<800xi32, #tpu.memory_space<vmem>>, vector<16xi32>,
            %sub3A = arith.subi %get3A_105, %add3A_21 : vector<16xi32>
            %ge3A = arith.constant 0 : i32
            %ge3A_106 = vector.broadcast %ge3A : i32 to vector<16xi32>
            %ge3A_107 = arith.cmpi sge, %sub3A, %ge3A_106 : vector<16xi32>
            %lt3A_108 = arith.constant 96 : i32
            %lt3A_109 = vector.broadcast %lt3A_108 : i32 to vector<16xi32>
            %lt3A_110 = arith.cmpi slt, %sub3A, %lt3A_109 : vector<16xi32>
            %and3A = arith.andi %ge3A_107, %lt3A_110 : vector<16xi1>
            %get3A_111 = arith.index_cast %mul3A_104 : i32 to index
            %get3A_112 = tpu.vector_load %arg8[%get3A_111] {strides = array<i32>} : memref<800xi32, #tpu.memory_space<vmem>>, vector<16xi32>,
            %get3A_113 = arith.index_cast %mul3A_104 : i32 to index
            %get3A_114 = tpu.vector_load %arg9[%get3A_113] {strides = array<i32>} : memref<800xi32, #tpu.memory_space<vmem>>, vector<16xi32>,
            tpu.vector_store_idx %arg13[%sub3A, %get3A_112], %get3A_114 masked %and3A {add = true} : memref<96x1280xi32, #tpu.memory_space<vmem>>[vector<16xi32>, vector<16xi32>], vector<16xi32>, vector<16xi1>
          }
          %while3A_76 = arith.constant 1 : i32
          scf.for %while3A_102 = %while3A_74 to %while3A_70 step %while3A_76  : i32 {
            %mul3A_103 = arith.constant 16 : i32
            %mul3A_104 = arith.muli %while3A_102, %mul3A_103 : i32
            %get3A = arith.index_cast %mul3A_104 : i32 to index
            %get3A_105 = tpu.vector_load %arg7[%get3A] {strides = array<i32>} : memref<800xi32, #tpu.memory_space<vmem>>, vector<16xi32>,
            %sub3A = arith.subi %get3A_105, %add3A_21 : vector<16xi32>
            %ge3A = arith.constant 0 : i32
            %ge3A_106 = vector.broadcast %ge3A : i32 to vector<16xi32>
            %ge3A_107 = arith.cmpi sge, %sub3A, %ge3A_106 : vector<16xi32>
            %lt3A_108 = arith.constant 96 : i32
            %lt3A_109 = vector.broadcast %lt3A_108 : i32 to vector<16xi32>
            %lt3A_110 = arith.cmpi slt, %sub3A, %lt3A_109 : vector<16xi32>
            %and3A = arith.andi %ge3A_107, %lt3A_110 : vector<16xi1>
            %get3A_111 = arith.index_cast %mul3A_104 : i32 to index
            %get3A_112 = tpu.vector_load %arg8[%get3A_111] {strides = array<i32>} : memref<800xi32, #tpu.memory_space<vmem>>, vector<16xi32>,
            %get3A_113 = arith.index_cast %mul3A_104 : i32 to index
            %get3A_114 = tpu.vector_load %arg9[%get3A_113] {strides = array<i32>} : memref<800xi32, #tpu.memory_space<vmem>>, vector<16xi32>,
            tpu.vector_store_idx %arg13[%sub3A, %get3A_112], %get3A_114 masked %and3A {add = true} : memref<96x1280xi32, #tpu.memory_space<vmem>>[vector<16xi32>, vector<16xi32>], vector<16xi32>, vector<16xi1>
          }
          %lt3A_77 = arith.constant 99 : i32
          %lt3A_78 = arith.cmpi slt, %while3A_44, %lt3A_77 : i32
          %convert_element_type3A_79 = arith.extui %lt3A_78 : i1 to i32
          %cond3A_80 = arith.constant 0 : i32
          %cond3A_81 = arith.cmpi ne, %convert_element_type3A_79, %cond3A_80 : i32
          scf.if %cond3A_81 {
            %add3A_102 = arith.constant 2 : i32
            %add3A_103 = arith.addi %mul3A_46, %add3A_102 : i32
            %mul3A_104 = arith.constant 800 : i32
            %mul3A_105 = arith.muli %add3A_103, %mul3A_104 : i32
            %multiple_of3A_106 = tpu.assume_multiple %mul3A_105, 800 : i32
            %dma_start3A_107 = tpu.memref_slice %arg2[%multiple_of3A_106] : memref<160000xi32, #tpu.memory_space<hbm>> -> memref<800xi32, #tpu.memory_space<hbm>>
            %dma_start3A_108 = tpu.memref_slice %arg2[%multiple_of3A_106] : memref<160000xi32, #tpu.memory_space<hbm>> -> memref<800xi32, #tpu.memory_space<hbm>>
            tpu.enqueue_dma source(%dma_start3A_108 : memref<800xi32, #tpu.memory_space<hbm>>) target(%arg7 : memref<800xi32, #tpu.memory_space<vmem>>) target_semaphore(%arg14 : memref<!tpu.dma_semaphore, #tpu.memory_space<semaphore_mem>>)
            %dma_start3A_109 = tpu.memref_slice %arg3[%multiple_of3A_106] : memref<160000xi32, #tpu.memory_space<hbm>> -> memref<800xi32, #tpu.memory_space<hbm>>
            %dma_start3A_110 = tpu.memref_slice %arg3[%multiple_of3A_106] : memref<160000xi32, #tpu.memory_space<hbm>> -> memref<800xi32, #tpu.memory_space<hbm>>
            tpu.enqueue_dma source(%dma_start3A_110 : memref<800xi32, #tpu.memory_space<hbm>>) target(%arg8 : memref<800xi32, #tpu.memory_space<vmem>>) target_semaphore(%arg14 : memref<!tpu.dma_semaphore, #tpu.memory_space<semaphore_mem>>)
            %dma_start3A_111 = tpu.memref_slice %arg4[%multiple_of3A_106] : memref<160000xi32, #tpu.memory_space<hbm>> -> memref<800xi32, #tpu.memory_space<hbm>>
            %dma_start3A_112 = tpu.memref_slice %arg4[%multiple_of3A_106] : memref<160000xi32, #tpu.memory_space<hbm>> -> memref<800xi32, #tpu.memory_space<hbm>>
            tpu.enqueue_dma source(%dma_start3A_112 : memref<800xi32, #tpu.memory_space<hbm>>) target(%arg9 : memref<800xi32, #tpu.memory_space<vmem>>) target_semaphore(%arg14 : memref<!tpu.dma_semaphore, #tpu.memory_space<semaphore_mem>>)
          } else {
          }
          %dma_wait3A_82 = arith.constant 0 : i32
          %dma_wait3A_83 = tpu.memref_slice %arg2[%dma_wait3A_82] : memref<160000xi32, #tpu.memory_space<hbm>> -> memref<800xi32, #tpu.memory_space<hbm>>
          %dma_wait3A_84 = tpu.memref_slice %arg2[%dma_wait3A_82] : memref<160000xi32, #tpu.memory_space<hbm>> -> memref<800xi32, #tpu.memory_space<hbm>>
          tpu.wait_dma2 semaphore(%arg15 : memref<!tpu.dma_semaphore, #tpu.memory_space<semaphore_mem>>) src(%dma_wait3A_84 : memref<800xi32, #tpu.memory_space<hbm>>) dst(%arg10 : memref<800xi32, #tpu.memory_space<vmem>>)
          %dma_wait3A_85 = arith.constant 0 : i32
          %dma_wait3A_86 = tpu.memref_slice %arg3[%dma_wait3A_85] : memref<160000xi32, #tpu.memory_space<hbm>> -> memref<800xi32, #tpu.memory_space<hbm>>
          %dma_wait3A_87 = tpu.memref_slice %arg3[%dma_wait3A_85] : memref<160000xi32, #tpu.memory_space<hbm>> -> memref<800xi32, #tpu.memory_space<hbm>>
          tpu.wait_dma2 semaphore(%arg15 : memref<!tpu.dma_semaphore, #tpu.memory_space<semaphore_mem>>) src(%dma_wait3A_87 : memref<800xi32, #tpu.memory_space<hbm>>) dst(%arg11 : memref<800xi32, #tpu.memory_space<vmem>>)
          %dma_wait3A_88 = arith.constant 0 : i32
          %dma_wait3A_89 = tpu.memref_slice %arg4[%dma_wait3A_88] : memref<160000xi32, #tpu.memory_space<hbm>> -> memref<800xi32, #tpu.memory_space<hbm>>
          %dma_wait3A_90 = tpu.memref_slice %arg4[%dma_wait3A_88] : memref<160000xi32, #tpu.memory_space<hbm>> -> memref<800xi32, #tpu.memory_space<hbm>>
          tpu.wait_dma2 semaphore(%arg15 : memref<!tpu.dma_semaphore, #tpu.memory_space<semaphore_mem>>) src(%dma_wait3A_90 : memref<800xi32, #tpu.memory_space<hbm>>) dst(%arg12 : memref<800xi32, #tpu.memory_space<vmem>>)
          %while3A_91 = arith.constant 0 : i32
          %while3A_92 = arith.constant 0 : i32
          %while3A_93 = arith.constant 50 : i32
          %while3A_94 = arith.subi %while3A_93, %while3A_92 : i32
          %while3A_95 = arith.addi %while3A_92, %while3A_94 : i32
          %while3A_96 = arith.constant 1 : i32
          %while3A_97 = arith.divsi %while3A_94, %while3A_96 : i32
          %while3A_98 = arith.muli %while3A_97, %while3A_96 : i32
          %while3A_99 = arith.addi %while3A_92, %while3A_98 : i32
          %while3A_100 = arith.constant 1 : i32
          scf.for %while3A_102 = %while3A_92 to %while3A_99 step %while3A_100  : i32 {
            %mul3A_103 = arith.constant 16 : i32
            %mul3A_104 = arith.muli %while3A_102, %mul3A_103 : i32
            %get3A = arith.index_cast %mul3A_104 : i32 to index
            %get3A_105 = tpu.vector_load %arg10[%get3A] {strides = array<i32>} : memref<800xi32, #tpu.memory_space<vmem>>, vector<16xi32>,
            %sub3A = arith.subi %get3A_105, %add3A_21 : vector<16xi32>
            %ge3A = arith.constant 0 : i32
            %ge3A_106 = vector.broadcast %ge3A : i32 to vector<16xi32>
            %ge3A_107 = arith.cmpi sge, %sub3A, %ge3A_106 : vector<16xi32>
            %lt3A_108 = arith.constant 96 : i32
            %lt3A_109 = vector.broadcast %lt3A_108 : i32 to vector<16xi32>
            %lt3A_110 = arith.cmpi slt, %sub3A, %lt3A_109 : vector<16xi32>
            %and3A = arith.andi %ge3A_107, %lt3A_110 : vector<16xi1>
            %get3A_111 = arith.index_cast %mul3A_104 : i32 to index
            %get3A_112 = tpu.vector_load %arg11[%get3A_111] {strides = array<i32>} : memref<800xi32, #tpu.memory_space<vmem>>, vector<16xi32>,
            %get3A_113 = arith.index_cast %mul3A_104 : i32 to index
            %get3A_114 = tpu.vector_load %arg12[%get3A_113] {strides = array<i32>} : memref<800xi32, #tpu.memory_space<vmem>>, vector<16xi32>,
            tpu.vector_store_idx %arg13[%sub3A, %get3A_112], %get3A_114 masked %and3A {add = true} : memref<96x1280xi32, #tpu.memory_space<vmem>>[vector<16xi32>, vector<16xi32>], vector<16xi32>, vector<16xi1>
          }
          %while3A_101 = arith.constant 1 : i32
          scf.for %while3A_102 = %while3A_99 to %while3A_95 step %while3A_101  : i32 {
            %mul3A_103 = arith.constant 16 : i32
            %mul3A_104 = arith.muli %while3A_102, %mul3A_103 : i32
            %get3A = arith.index_cast %mul3A_104 : i32 to index
            %get3A_105 = tpu.vector_load %arg10[%get3A] {strides = array<i32>} : memref<800xi32, #tpu.memory_space<vmem>>, vector<16xi32>,
            %sub3A = arith.subi %get3A_105, %add3A_21 : vector<16xi32>
            %ge3A = arith.constant 0 : i32
            %ge3A_106 = vector.broadcast %ge3A : i32 to vector<16xi32>
            %ge3A_107 = arith.cmpi sge, %sub3A, %ge3A_106 : vector<16xi32>
            %lt3A_108 = arith.constant 96 : i32
            %lt3A_109 = vector.broadcast %lt3A_108 : i32 to vector<16xi32>
            %lt3A_110 = arith.cmpi slt, %sub3A, %lt3A_109 : vector<16xi32>
            %and3A = arith.andi %ge3A_107, %lt3A_110 : vector<16xi1>
            %get3A_111 = arith.index_cast %mul3A_104 : i32 to index
            %get3A_112 = tpu.vector_load %arg11[%get3A_111] {strides = array<i32>} : memref<800xi32, #tpu.memory_space<vmem>>, vector<16xi32>,
            %get3A_113 = arith.index_cast %mul3A_104 : i32 to index
            %get3A_114 = tpu.vector_load %arg12[%get3A_113] {strides = array<i32>} : memref<800xi32, #tpu.memory_space<vmem>>, vector<16xi32>,
            tpu.vector_store_idx %arg13[%sub3A, %get3A_112], %get3A_114 masked %and3A {add = true} : memref<96x1280xi32, #tpu.memory_space<vmem>>[vector<16xi32>, vector<16xi32>], vector<16xi32>, vector<16xi1>
          }
        }
        %while3A_40 = arith.constant 1 : i32
        scf.for %while3A_44 = %while3A_38 to %while3A_34 step %while3A_40  : i32 {
          %mul3A_45 = arith.constant 2 : i32
          %mul3A_46 = arith.muli %while3A_44, %mul3A_45 : i32
          %add3A_47 = arith.constant 1 : i32
          %add3A_48 = arith.addi %mul3A_46, %add3A_47 : i32
          %mul3A_49 = arith.constant 800 : i32
          %mul3A_50 = arith.muli %add3A_48, %mul3A_49 : i32
          %multiple_of3A_51 = tpu.assume_multiple %mul3A_50, 800 : i32
          %dma_start3A_52 = tpu.memref_slice %arg2[%multiple_of3A_51] : memref<160000xi32, #tpu.memory_space<hbm>> -> memref<800xi32, #tpu.memory_space<hbm>>
          %dma_start3A_53 = tpu.memref_slice %arg2[%multiple_of3A_51] : memref<160000xi32, #tpu.memory_space<hbm>> -> memref<800xi32, #tpu.memory_space<hbm>>
          tpu.enqueue_dma source(%dma_start3A_53 : memref<800xi32, #tpu.memory_space<hbm>>) target(%arg10 : memref<800xi32, #tpu.memory_space<vmem>>) target_semaphore(%arg15 : memref<!tpu.dma_semaphore, #tpu.memory_space<semaphore_mem>>)
          %dma_start3A_54 = tpu.memref_slice %arg3[%multiple_of3A_51] : memref<160000xi32, #tpu.memory_space<hbm>> -> memref<800xi32, #tpu.memory_space<hbm>>
          %dma_start3A_55 = tpu.memref_slice %arg3[%multiple_of3A_51] : memref<160000xi32, #tpu.memory_space<hbm>> -> memref<800xi32, #tpu.memory_space<hbm>>
          tpu.enqueue_dma source(%dma_start3A_55 : memref<800xi32, #tpu.memory_space<hbm>>) target(%arg11 : memref<800xi32, #tpu.memory_space<vmem>>) target_semaphore(%arg15 : memref<!tpu.dma_semaphore, #tpu.memory_space<semaphore_mem>>)
          %dma_start3A_56 = tpu.memref_slice %arg4[%multiple_of3A_51] : memref<160000xi32, #tpu.memory_space<hbm>> -> memref<800xi32, #tpu.memory_space<hbm>>
          %dma_start3A_57 = tpu.memref_slice %arg4[%multiple_of3A_51] : memref<160000xi32, #tpu.memory_space<hbm>> -> memref<800xi32, #tpu.memory_space<hbm>>
          tpu.enqueue_dma source(%dma_start3A_57 : memref<800xi32, #tpu.memory_space<hbm>>) target(%arg12 : memref<800xi32, #tpu.memory_space<vmem>>) target_semaphore(%arg15 : memref<!tpu.dma_semaphore, #tpu.memory_space<semaphore_mem>>)
          %dma_wait3A = arith.constant 0 : i32
          %dma_wait3A_58 = tpu.memref_slice %arg2[%dma_wait3A] : memref<160000xi32, #tpu.memory_space<hbm>> -> memref<800xi32, #tpu.memory_space<hbm>>
          %dma_wait3A_59 = tpu.memref_slice %arg2[%dma_wait3A] : memref<160000xi32, #tpu.memory_space<hbm>> -> memref<800xi32, #tpu.memory_space<hbm>>
          tpu.wait_dma2 semaphore(%arg14 : memref<!tpu.dma_semaphore, #tpu.memory_space<semaphore_mem>>) src(%dma_wait3A_59 : memref<800xi32, #tpu.memory_space<hbm>>) dst(%arg7 : memref<800xi32, #tpu.memory_space<vmem>>)
          %dma_wait3A_60 = arith.constant 0 : i32
          %dma_wait3A_61 = tpu.memref_slice %arg3[%dma_wait3A_60] : memref<160000xi32, #tpu.memory_space<hbm>> -> memref<800xi32, #tpu.memory_space<hbm>>
          %dma_wait3A_62 = tpu.memref_slice %arg3[%dma_wait3A_60] : memref<160000xi32, #tpu.memory_space<hbm>> -> memref<800xi32, #tpu.memory_space<hbm>>
          tpu.wait_dma2 semaphore(%arg14 : memref<!tpu.dma_semaphore, #tpu.memory_space<semaphore_mem>>) src(%dma_wait3A_62 : memref<800xi32, #tpu.memory_space<hbm>>) dst(%arg8 : memref<800xi32, #tpu.memory_space<vmem>>)
          %dma_wait3A_63 = arith.constant 0 : i32
          %dma_wait3A_64 = tpu.memref_slice %arg4[%dma_wait3A_63] : memref<160000xi32, #tpu.memory_space<hbm>> -> memref<800xi32, #tpu.memory_space<hbm>>
          %dma_wait3A_65 = tpu.memref_slice %arg4[%dma_wait3A_63] : memref<160000xi32, #tpu.memory_space<hbm>> -> memref<800xi32, #tpu.memory_space<hbm>>
          tpu.wait_dma2 semaphore(%arg14 : memref<!tpu.dma_semaphore, #tpu.memory_space<semaphore_mem>>) src(%dma_wait3A_65 : memref<800xi32, #tpu.memory_space<hbm>>) dst(%arg9 : memref<800xi32, #tpu.memory_space<vmem>>)
          %while3A_66 = arith.constant 0 : i32
          %while3A_67 = arith.constant 0 : i32
          %while3A_68 = arith.constant 50 : i32
          %while3A_69 = arith.subi %while3A_68, %while3A_67 : i32
          %while3A_70 = arith.addi %while3A_67, %while3A_69 : i32
          %while3A_71 = arith.constant 1 : i32
          %while3A_72 = arith.divsi %while3A_69, %while3A_71 : i32
          %while3A_73 = arith.muli %while3A_72, %while3A_71 : i32
          %while3A_74 = arith.addi %while3A_67, %while3A_73 : i32
          %while3A_75 = arith.constant 1 : i32
          scf.for %while3A_102 = %while3A_67 to %while3A_74 step %while3A_75  : i32 {
            %mul3A_103 = arith.constant 16 : i32
            %mul3A_104 = arith.muli %while3A_102, %mul3A_103 : i32
            %get3A = arith.index_cast %mul3A_104 : i32 to index
            %get3A_105 = tpu.vector_load %arg7[%get3A] {strides = array<i32>} : memref<800xi32, #tpu.memory_space<vmem>>, vector<16xi32>,
            %sub3A = arith.subi %get3A_105, %add3A_21 : vector<16xi32>
            %ge3A = arith.constant 0 : i32
            %ge3A_106 = vector.broadcast %ge3A : i32 to vector<16xi32>
            %ge3A_107 = arith.cmpi sge, %sub3A, %ge3A_106 : vector<16xi32>
            %lt3A_108 = arith.constant 96 : i32
            %lt3A_109 = vector.broadcast %lt3A_108 : i32 to vector<16xi32>
            %lt3A_110 = arith.cmpi slt, %sub3A, %lt3A_109 : vector<16xi32>
            %and3A = arith.andi %ge3A_107, %lt3A_110 : vector<16xi1>
            %get3A_111 = arith.index_cast %mul3A_104 : i32 to index
            %get3A_112 = tpu.vector_load %arg8[%get3A_111] {strides = array<i32>} : memref<800xi32, #tpu.memory_space<vmem>>, vector<16xi32>,
            %get3A_113 = arith.index_cast %mul3A_104 : i32 to index
            %get3A_114 = tpu.vector_load %arg9[%get3A_113] {strides = array<i32>} : memref<800xi32, #tpu.memory_space<vmem>>, vector<16xi32>,
            tpu.vector_store_idx %arg13[%sub3A, %get3A_112], %get3A_114 masked %and3A {add = true} : memref<96x1280xi32, #tpu.memory_space<vmem>>[vector<16xi32>, vector<16xi32>], vector<16xi32>, vector<16xi1>
          }
          %while3A_76 = arith.constant 1 : i32
          scf.for %while3A_102 = %while3A_74 to %while3A_70 step %while3A_76  : i32 {
            %mul3A_103 = arith.constant 16 : i32
            %mul3A_104 = arith.muli %while3A_102, %mul3A_103 : i32
            %get3A = arith.index_cast %mul3A_104 : i32 to index
            %get3A_105 = tpu.vector_load %arg7[%get3A] {strides = array<i32>} : memref<800xi32, #tpu.memory_space<vmem>>, vector<16xi32>,
            %sub3A = arith.subi %get3A_105, %add3A_21 : vector<16xi32>
            %ge3A = arith.constant 0 : i32
            %ge3A_106 = vector.broadcast %ge3A : i32 to vector<16xi32>
            %ge3A_107 = arith.cmpi sge, %sub3A, %ge3A_106 : vector<16xi32>
            %lt3A_108 = arith.constant 96 : i32
            %lt3A_109 = vector.broadcast %lt3A_108 : i32 to vector<16xi32>
            %lt3A_110 = arith.cmpi slt, %sub3A, %lt3A_109 : vector<16xi32>
            %and3A = arith.andi %ge3A_107, %lt3A_110 : vector<16xi1>
            %get3A_111 = arith.index_cast %mul3A_104 : i32 to index
            %get3A_112 = tpu.vector_load %arg8[%get3A_111] {strides = array<i32>} : memref<800xi32, #tpu.memory_space<vmem>>, vector<16xi32>,
            %get3A_113 = arith.index_cast %mul3A_104 : i32 to index
            %get3A_114 = tpu.vector_load %arg9[%get3A_113] {strides = array<i32>} : memref<800xi32, #tpu.memory_space<vmem>>, vector<16xi32>,
            tpu.vector_store_idx %arg13[%sub3A, %get3A_112], %get3A_114 masked %and3A {add = true} : memref<96x1280xi32, #tpu.memory_space<vmem>>[vector<16xi32>, vector<16xi32>], vector<16xi32>, vector<16xi1>
          }
          %lt3A_77 = arith.constant 99 : i32
          %lt3A_78 = arith.cmpi slt, %while3A_44, %lt3A_77 : i32
          %convert_element_type3A_79 = arith.extui %lt3A_78 : i1 to i32
          %cond3A_80 = arith.constant 0 : i32
          %cond3A_81 = arith.cmpi ne, %convert_element_type3A_79, %cond3A_80 : i32
          scf.if %cond3A_81 {
            %add3A_102 = arith.constant 2 : i32
            %add3A_103 = arith.addi %mul3A_46, %add3A_102 : i32
            %mul3A_104 = arith.constant 800 : i32
            %mul3A_105 = arith.muli %add3A_103, %mul3A_104 : i32
            %multiple_of3A_106 = tpu.assume_multiple %mul3A_105, 800 : i32
            %dma_start3A_107 = tpu.memref_slice %arg2[%multiple_of3A_106] : memref<160000xi32, #tpu.memory_space<hbm>> -> memref<800xi32, #tpu.memory_space<hbm>>
            %dma_start3A_108 = tpu.memref_slice %arg2[%multiple_of3A_106] : memref<160000xi32, #tpu.memory_space<hbm>> -> memref<800xi32, #tpu.memory_space<hbm>>
            tpu.enqueue_dma source(%dma_start3A_108 : memref<800xi32, #tpu.memory_space<hbm>>) target(%arg7 : memref<800xi32, #tpu.memory_space<vmem>>) target_semaphore(%arg14 : memref<!tpu.dma_semaphore, #tpu.memory_space<semaphore_mem>>)
            %dma_start3A_109 = tpu.memref_slice %arg3[%multiple_of3A_106] : memref<160000xi32, #tpu.memory_space<hbm>> -> memref<800xi32, #tpu.memory_space<hbm>>
            %dma_start3A_110 = tpu.memref_slice %arg3[%multiple_of3A_106] : memref<160000xi32, #tpu.memory_space<hbm>> -> memref<800xi32, #tpu.memory_space<hbm>>
            tpu.enqueue_dma source(%dma_start3A_110 : memref<800xi32, #tpu.memory_space<hbm>>) target(%arg8 : memref<800xi32, #tpu.memory_space<vmem>>) target_semaphore(%arg14 : memref<!tpu.dma_semaphore, #tpu.memory_space<semaphore_mem>>)
            %dma_start3A_111 = tpu.memref_slice %arg4[%multiple_of3A_106] : memref<160000xi32, #tpu.memory_space<hbm>> -> memref<800xi32, #tpu.memory_space<hbm>>
            %dma_start3A_112 = tpu.memref_slice %arg4[%multiple_of3A_106] : memref<160000xi32, #tpu.memory_space<hbm>> -> memref<800xi32, #tpu.memory_space<hbm>>
            tpu.enqueue_dma source(%dma_start3A_112 : memref<800xi32, #tpu.memory_space<hbm>>) target(%arg9 : memref<800xi32, #tpu.memory_space<vmem>>) target_semaphore(%arg14 : memref<!tpu.dma_semaphore, #tpu.memory_space<semaphore_mem>>)
          } else {
          }
          %dma_wait3A_82 = arith.constant 0 : i32
          %dma_wait3A_83 = tpu.memref_slice %arg2[%dma_wait3A_82] : memref<160000xi32, #tpu.memory_space<hbm>> -> memref<800xi32, #tpu.memory_space<hbm>>
          %dma_wait3A_84 = tpu.memref_slice %arg2[%dma_wait3A_82] : memref<160000xi32, #tpu.memory_space<hbm>> -> memref<800xi32, #tpu.memory_space<hbm>>
          tpu.wait_dma2 semaphore(%arg15 : memref<!tpu.dma_semaphore, #tpu.memory_space<semaphore_mem>>) src(%dma_wait3A_84 : memref<800xi32, #tpu.memory_space<hbm>>) dst(%arg10 : memref<800xi32, #tpu.memory_space<vmem>>)
          %dma_wait3A_85 = arith.constant 0 : i32
          %dma_wait3A_86 = tpu.memref_slice %arg3[%dma_wait3A_85] : memref<160000xi32, #tpu.memory_space<hbm>> -> memref<800xi32, #tpu.memory_space<hbm>>
          %dma_wait3A_87 = tpu.memref_slice %arg3[%dma_wait3A_85] : memref<160000xi32, #tpu.memory_space<hbm>> -> memref<800xi32, #tpu.memory_space<hbm>>
          tpu.wait_dma2 semaphore(%arg15 : memref<!tpu.dma_semaphore, #tpu.memory_space<semaphore_mem>>) src(%dma_wait3A_87 : memref<800xi32, #tpu.memory_space<hbm>>) dst(%arg11 : memref<800xi32, #tpu.memory_space<vmem>>)
          %dma_wait3A_88 = arith.constant 0 : i32
          %dma_wait3A_89 = tpu.memref_slice %arg4[%dma_wait3A_88] : memref<160000xi32, #tpu.memory_space<hbm>> -> memref<800xi32, #tpu.memory_space<hbm>>
          %dma_wait3A_90 = tpu.memref_slice %arg4[%dma_wait3A_88] : memref<160000xi32, #tpu.memory_space<hbm>> -> memref<800xi32, #tpu.memory_space<hbm>>
          tpu.wait_dma2 semaphore(%arg15 : memref<!tpu.dma_semaphore, #tpu.memory_space<semaphore_mem>>) src(%dma_wait3A_90 : memref<800xi32, #tpu.memory_space<hbm>>) dst(%arg12 : memref<800xi32, #tpu.memory_space<vmem>>)
          %while3A_91 = arith.constant 0 : i32
          %while3A_92 = arith.constant 0 : i32
          %while3A_93 = arith.constant 50 : i32
          %while3A_94 = arith.subi %while3A_93, %while3A_92 : i32
          %while3A_95 = arith.addi %while3A_92, %while3A_94 : i32
          %while3A_96 = arith.constant 1 : i32
          %while3A_97 = arith.divsi %while3A_94, %while3A_96 : i32
          %while3A_98 = arith.muli %while3A_97, %while3A_96 : i32
          %while3A_99 = arith.addi %while3A_92, %while3A_98 : i32
          %while3A_100 = arith.constant 1 : i32
          scf.for %while3A_102 = %while3A_92 to %while3A_99 step %while3A_100  : i32 {
            %mul3A_103 = arith.constant 16 : i32
            %mul3A_104 = arith.muli %while3A_102, %mul3A_103 : i32
            %get3A = arith.index_cast %mul3A_104 : i32 to index
            %get3A_105 = tpu.vector_load %arg10[%get3A] {strides = array<i32>} : memref<800xi32, #tpu.memory_space<vmem>>, vector<16xi32>,
            %sub3A = arith.subi %get3A_105, %add3A_21 : vector<16xi32>
            %ge3A = arith.constant 0 : i32
            %ge3A_106 = vector.broadcast %ge3A : i32 to vector<16xi32>
            %ge3A_107 = arith.cmpi sge, %sub3A, %ge3A_106 : vector<16xi32>
            %lt3A_108 = arith.constant 96 : i32
            %lt3A_109 = vector.broadcast %lt3A_108 : i32 to vector<16xi32>
            %lt3A_110 = arith.cmpi slt, %sub3A, %lt3A_109 : vector<16xi32>
            %and3A = arith.andi %ge3A_107, %lt3A_110 : vector<16xi1>
            %get3A_111 = arith.index_cast %mul3A_104 : i32 to index
            %get3A_112 = tpu.vector_load %arg11[%get3A_111] {strides = array<i32>} : memref<800xi32, #tpu.memory_space<vmem>>, vector<16xi32>,
            %get3A_113 = arith.index_cast %mul3A_104 : i32 to index
            %get3A_114 = tpu.vector_load %arg12[%get3A_113] {strides = array<i32>} : memref<800xi32, #tpu.memory_space<vmem>>, vector<16xi32>,
            tpu.vector_store_idx %arg13[%sub3A, %get3A_112], %get3A_114 masked %and3A {add = true} : memref<96x1280xi32, #tpu.memory_space<vmem>>[vector<16xi32>, vector<16xi32>], vector<16xi32>, vector<16xi1>
          }
          %while3A_101 = arith.constant 1 : i32
          scf.for %while3A_102 = %while3A_99 to %while3A_95 step %while3A_101  : i32 {
            %mul3A_103 = arith.constant 16 : i32
            %mul3A_104 = arith.muli %while3A_102, %mul3A_103 : i32
            %get3A = arith.index_cast %mul3A_104 : i32 to index
            %get3A_105 = tpu.vector_load %arg10[%get3A] {strides = array<i32>} : memref<800xi32, #tpu.memory_space<vmem>>, vector<16xi32>,
            %sub3A = arith.subi %get3A_105, %add3A_21 : vector<16xi32>
            %ge3A = arith.constant 0 : i32
            %ge3A_106 = vector.broadcast %ge3A : i32 to vector<16xi32>
            %ge3A_107 = arith.cmpi sge, %sub3A, %ge3A_106 : vector<16xi32>
            %lt3A_108 = arith.constant 96 : i32
            %lt3A_109 = vector.broadcast %lt3A_108 : i32 to vector<16xi32>
            %lt3A_110 = arith.cmpi slt, %sub3A, %lt3A_109 : vector<16xi32>
            %and3A = arith.andi %ge3A_107, %lt3A_110 : vector<16xi1>
            %get3A_111 = arith.index_cast %mul3A_104 : i32 to index
            %get3A_112 = tpu.vector_load %arg11[%get3A_111] {strides = array<i32>} : memref<800xi32, #tpu.memory_space<vmem>>, vector<16xi32>,
            %get3A_113 = arith.index_cast %mul3A_104 : i32 to index
            %get3A_114 = tpu.vector_load %arg12[%get3A_113] {strides = array<i32>} : memref<800xi32, #tpu.memory_space<vmem>>, vector<16xi32>,
            tpu.vector_store_idx %arg13[%sub3A, %get3A_112], %get3A_114 masked %and3A {add = true} : memref<96x1280xi32, #tpu.memory_space<vmem>>[vector<16xi32>, vector<16xi32>], vector<16xi32>, vector<16xi1>
          }
        }
        %mul3A_41 = arith.constant 96 : i32
        %mul3A_42 = arith.muli %add3A_14, %mul3A_41 : i32
        %multiple_of3A_43 = tpu.assume_multiple %mul3A_42, 8 : i32
        "tpu.region"() ({
          %run_scoped3A = tpu.sem_alloc : memref<!tpu.dma_semaphore, #tpu.memory_space<semaphore_mem>>
          %dma_start3A_44 = arith.constant 0 : i32
          %dma_start3A_45 = tpu.memref_slice %arg6[%multiple_of3A_43, %dma_start3A_44] : memref<5376x1280xi32, #tpu.memory_space<hbm>> -> memref<96x1280xi32, #tpu.memory_space<hbm>>
          %dma_start3A_46 = arith.constant 0 : i32
          %dma_start3A_47 = tpu.memref_slice %arg6[%multiple_of3A_43, %dma_start3A_46] : memref<5376x1280xi32, #tpu.memory_space<hbm>> -> memref<96x1280xi32, #tpu.memory_space<hbm>>
          tpu.enqueue_dma source(%arg13 : memref<96x1280xi32, #tpu.memory_space<vmem>>) target(%dma_start3A_47 : memref<96x1280xi32, #tpu.memory_space<hbm>>) target_semaphore(%run_scoped3A : memref<!tpu.dma_semaphore, #tpu.memory_space<semaphore_mem>>)
          %dma_wait3A = arith.constant 0 : i32
          %dma_wait3A_48 = tpu.memref_slice %arg6[%multiple_of3A_43, %dma_wait3A] : memref<5376x1280xi32, #tpu.memory_space<hbm>> -> memref<96x1280xi32, #tpu.memory_space<hbm>>
          %dma_wait3A_49 = arith.constant 0 : i32
          %dma_wait3A_50 = tpu.memref_slice %arg6[%multiple_of3A_43, %dma_wait3A_49] : memref<5376x1280xi32, #tpu.memory_space<hbm>> -> memref<96x1280xi32, #tpu.memory_space<hbm>>
          tpu.wait_dma2 semaphore(%run_scoped3A : memref<!tpu.dma_semaphore, #tpu.memory_space<semaphore_mem>>) src(%arg13 : memref<96x1280xi32, #tpu.memory_space<vmem>>) dst(%dma_wait3A_50 : memref<96x1280xi32, #tpu.memory_space<hbm>>)
          tpu.yield
        }) : () -> ()
      } else {
      }
    }
    return
  }
}

module attributes {stable_mosaic.version = 14 : i64} {
  func.func @_mm_t_kern(%arg0: i32, %arg1: memref<5376x256xi32, #tpu.memory_space<vmem>>, %arg2: memref<5376x384xbf16, #tpu.memory_space<vmem>>, %arg3: memref<256x384xf32, #tpu.memory_space<vmem>>) attributes {dimension_semantics = [#tpu.dimension_semantics<arbitrary>], iteration_bounds = array<i64: 20>, scalar_prefetch = 0 : i64, scratch_operands = 0 : i64, tpu.core_type = #tpu.core_type<tc>, window_params = [{transform_indices = @transform_0, window_bounds = array<i64: 5376, 256>}, {pipeline_mode = #tpu.pipeline_mode<synchronous>, transform_indices = @transform_1, window_bounds = array<i64: 5376, 384>}, {transform_indices = @transform_2, window_bounds = array<i64: 256, 384>}]} {
    %jit3A = arith.constant 5 : i64
    %convert_element_type3A = arith.trunci %jit3A : i64 to i32
    %div3A = arith.divsi %arg0, %convert_element_type3A : i32
    %sign3A = arith.constant 0 : i32
    %sign3A_0 = arith.cmpi sgt, %arg0, %sign3A : i32
    %sign3A_1 = arith.extui %sign3A_0 : i1 to i32
    %sign3A_2 = arith.constant 0 : i32
    %sign3A_3 = arith.cmpi slt, %arg0, %sign3A_2 : i32
    %sign3A_4 = arith.extui %sign3A_3 : i1 to i32
    %sign3A_5 = arith.subi %sign3A_1, %sign3A_4 : i32
    %sign3A_6 = arith.constant 0 : i32
    %sign3A_7 = arith.cmpi sgt, %convert_element_type3A, %sign3A_6 : i32
    %sign3A_8 = arith.extui %sign3A_7 : i1 to i32
    %sign3A_9 = arith.constant 0 : i32
    %sign3A_10 = arith.cmpi slt, %convert_element_type3A, %sign3A_9 : i32
    %sign3A_11 = arith.extui %sign3A_10 : i1 to i32
    %sign3A_12 = arith.subi %sign3A_8, %sign3A_11 : i32
    %ne3A = arith.cmpi ne, %sign3A_5, %sign3A_12 : i32
    %rem3A = arith.remsi %arg0, %convert_element_type3A : i32
    %ne3A_13 = arith.constant 0 : i32
    %ne3A_14 = arith.cmpi ne, %rem3A, %ne3A_13 : i32
    %and3A = arith.andi %ne3A, %ne3A_14 : i1
    %sub3A = arith.constant 1 : i32
    %sub3A_15 = arith.subi %div3A, %sub3A : i32
    %select_n3A = arith.select %and3A, %sub3A_15, %div3A : i32
    %get3A = arith.constant 0 : index
    %get3A_16 = arith.constant 0 : index
    %get3A_17 = vector.load %arg1[%get3A, %get3A_16] : memref<5376x256xi32, #tpu.memory_space<vmem>>, vector<5376x256xi32>
    %mul3A = arith.constant 8 : i32
    %mul3A_18 = arith.muli %mul3A, %select_n3A : i32
    %shift_right_arithmetic3A = vector.broadcast %mul3A_18 : i32 to vector<5376x256xi32>
    %shift_right_arithmetic3A_19 = arith.shrsi %get3A_17, %shift_right_arithmetic3A : vector<5376x256xi32>
    %and3A_20 = arith.constant 255 : i32
    %and3A_21 = vector.broadcast %and3A_20 : i32 to vector<5376x256xi32>
    %and3A_22 = arith.andi %shift_right_arithmetic3A_19, %and3A_21 : vector<5376x256xi32>
    %convert_element_type3A_23 = arith.sitofp %and3A_22 : vector<5376x256xi32> to vector<5376x256xbf16>
    %get3A_24 = arith.constant 0 : index
    %get3A_25 = arith.constant 0 : index
    %get3A_26 = vector.load %arg2[%get3A_24, %get3A_25] : memref<5376x384xbf16, #tpu.memory_space<vmem>>, vector<5376x384xbf16>
    %dot_general3A = arith.constant dense<0.000000e+00> : vector<256x384xf32>
    %dot_general3A_27 = tpu.matmul %convert_element_type3A_23, %get3A_26, %dot_general3A {dimension_numbers = #tpu.dot_dimension_numbers<[0], [0], [1], [1], [0, 1, 1, 1], [], []>, transpose_lhs_hint = false} : vector<5376x256xbf16>, vector<5376x384xbf16>, vector<256x384xf32> -> vector<256x384xf32>
    %swap3A = arith.constant 0 : index
    %swap3A_28 = arith.constant 0 : index
    %swap3A_29 = vector.load %arg3[%swap3A, %swap3A_28] : memref<256x384xf32, #tpu.memory_space<vmem>>, vector<256x384xf32>
    tpu.vector_store %arg3[%swap3A, %swap3A_28], %dot_general3A_27 {strides = array<i32>} : memref<256x384xf32, #tpu.memory_space<vmem>>, vector<256x384xf32>,
    return
  }
  func.func @transform_0(%arg0: i32) -> (i32, i32) {
    %jit3A = arith.constant 5 : i64
    %convert_element_type3A = arith.trunci %jit3A : i64 to i32
    %eq3A = arith.constant 0 : i32
    %eq3A_0 = arith.cmpi eq, %convert_element_type3A, %eq3A : i32
    %jit3A_1 = arith.constant 1 : i32
    %select_n3A = arith.select %eq3A_0, %jit3A_1, %convert_element_type3A : i32
    %rem3A = arith.remsi %arg0, %select_n3A : i32
    %ne3A = arith.constant 0 : i32
    %ne3A_2 = arith.cmpi ne, %rem3A, %ne3A : i32
    %lt3A = arith.constant 0 : i32
    %lt3A_3 = arith.cmpi slt, %rem3A, %lt3A : i32
    %lt3A_4 = arith.constant 0 : i32
    %lt3A_5 = arith.cmpi slt, %select_n3A, %lt3A_4 : i32
    %ne3A_6 = arith.xori %lt3A_3, %lt3A_5 : i1
    %and3A = arith.andi %ne3A_6, %ne3A_2 : i1
    %add3A = arith.addi %rem3A, %select_n3A : i32
    %select_n3A_7 = arith.select %and3A, %add3A, %rem3A : i32
    %c0_i32 = arith.constant 0 : i32
    %c0_i32_8 = arith.constant 0 : i32
    return %c0_i32, %select_n3A_7 : i32, i32
  }
  func.func @transform_1(%arg0: i32) -> (i32, i32) {
    %c0_i32 = arith.constant 0 : i32
    %c0_i32_0 = arith.constant 0 : i32
    %c0_i32_1 = arith.constant 0 : i32
    return %c0_i32, %c0_i32_0 : i32, i32
  }
  func.func @transform_2(%arg0: i32) -> (i32, i32) {
    %c0_i32 = arith.constant 0 : i32
    %c0_i32_0 = arith.constant 0 : i32
    return %arg0, %c0_i32 : i32, i32
  }
}

module attributes {stable_mosaic.version = 14 : i64} {
  func.func @_mm_n_kern(%arg0: i32, %arg1: memref<384x1280xi32, #tpu.memory_space<vmem>>, %arg2: memref<5120x384xbf16, #tpu.memory_space<vmem>>, %arg3: memref<384x384xf32, #tpu.memory_space<vmem>>) attributes {dimension_semantics = [#tpu.dimension_semantics<arbitrary>], iteration_bounds = array<i64: 14>, scalar_prefetch = 0 : i64, scratch_operands = 0 : i64, tpu.core_type = #tpu.core_type<tc>, window_params = [{transform_indices = @transform_0, window_bounds = array<i64: 384, 1280>}, {pipeline_mode = #tpu.pipeline_mode<synchronous>, transform_indices = @transform_1, window_bounds = array<i64: 5120, 384>}, {transform_indices = @transform_2, window_bounds = array<i64: 384, 384>}]} {
    %get3A = arith.constant 0 : index
    %get3A_0 = arith.constant 0 : index
    %get3A_1 = vector.load %arg1[%get3A, %get3A_0] : memref<384x1280xi32, #tpu.memory_space<vmem>>, vector<384x1280xi32>
    %shift_right_arithmetic3A = arith.constant 0 : i32
    %shift_right_arithmetic3A_2 = vector.broadcast %shift_right_arithmetic3A : i32 to vector<384x1280xi32>
    %shift_right_arithmetic3A_3 = arith.shrsi %get3A_1, %shift_right_arithmetic3A_2 : vector<384x1280xi32>
    %and3A = arith.constant 255 : i32
    %and3A_4 = vector.broadcast %and3A : i32 to vector<384x1280xi32>
    %and3A_5 = arith.andi %shift_right_arithmetic3A_3, %and3A_4 : vector<384x1280xi32>
    %convert_element_type3A = arith.sitofp %and3A_5 : vector<384x1280xi32> to vector<384x1280xbf16>
    %shift_right_arithmetic3A_6 = arith.constant 8 : i32
    %shift_right_arithmetic3A_7 = vector.broadcast %shift_right_arithmetic3A_6 : i32 to vector<384x1280xi32>
    %shift_right_arithmetic3A_8 = arith.shrsi %get3A_1, %shift_right_arithmetic3A_7 : vector<384x1280xi32>
    %and3A_9 = arith.constant 255 : i32
    %and3A_10 = vector.broadcast %and3A_9 : i32 to vector<384x1280xi32>
    %and3A_11 = arith.andi %shift_right_arithmetic3A_8, %and3A_10 : vector<384x1280xi32>
    %convert_element_type3A_12 = arith.sitofp %and3A_11 : vector<384x1280xi32> to vector<384x1280xbf16>
    %shift_right_arithmetic3A_13 = arith.constant 16 : i32
    %shift_right_arithmetic3A_14 = vector.broadcast %shift_right_arithmetic3A_13 : i32 to vector<384x1280xi32>
    %shift_right_arithmetic3A_15 = arith.shrsi %get3A_1, %shift_right_arithmetic3A_14 : vector<384x1280xi32>
    %and3A_16 = arith.constant 255 : i32
    %and3A_17 = vector.broadcast %and3A_16 : i32 to vector<384x1280xi32>
    %and3A_18 = arith.andi %shift_right_arithmetic3A_15, %and3A_17 : vector<384x1280xi32>
    %convert_element_type3A_19 = arith.sitofp %and3A_18 : vector<384x1280xi32> to vector<384x1280xbf16>
    %shift_right_arithmetic3A_20 = arith.constant 24 : i32
    %shift_right_arithmetic3A_21 = vector.broadcast %shift_right_arithmetic3A_20 : i32 to vector<384x1280xi32>
    %shift_right_arithmetic3A_22 = arith.shrsi %get3A_1, %shift_right_arithmetic3A_21 : vector<384x1280xi32>
    %and3A_23 = arith.constant 255 : i32
    %and3A_24 = vector.broadcast %and3A_23 : i32 to vector<384x1280xi32>
    %and3A_25 = arith.andi %shift_right_arithmetic3A_22, %and3A_24 : vector<384x1280xi32>
    %convert_element_type3A_26 = arith.sitofp %and3A_25 : vector<384x1280xi32> to vector<384x1280xbf16>
    %concatenate3A = tpu.concatenate %convert_element_type3A, %convert_element_type3A_12, %convert_element_type3A_19, %convert_element_type3A_26 in 1 : vector<384x1280xbf16>, vector<384x1280xbf16>, vector<384x1280xbf16>, vector<384x1280xbf16> -> vector<384x5120xbf16>
    %get3A_27 = arith.constant 0 : index
    %get3A_28 = arith.constant 0 : index
    %get3A_29 = vector.load %arg2[%get3A_27, %get3A_28] : memref<5120x384xbf16, #tpu.memory_space<vmem>>, vector<5120x384xbf16>
    %dot_general3A = arith.constant dense<0.000000e+00> : vector<384x384xf32>
    %dot_general3A_30 = tpu.matmul %concatenate3A, %get3A_29, %dot_general3A {dimension_numbers = #tpu.dot_dimension_numbers<[1], [0], [0], [1], [0, 0, 1, 1], [], []>, transpose_lhs_hint = false} : vector<384x5120xbf16>, vector<5120x384xbf16>, vector<384x384xf32> -> vector<384x384xf32>
    %swap3A = arith.constant 0 : index
    %swap3A_31 = arith.constant 0 : index
    %swap3A_32 = vector.load %arg3[%swap3A, %swap3A_31] : memref<384x384xf32, #tpu.memory_space<vmem>>, vector<384x384xf32>
    tpu.vector_store %arg3[%swap3A, %swap3A_31], %dot_general3A_30 {strides = array<i32>} : memref<384x384xf32, #tpu.memory_space<vmem>>, vector<384x384xf32>,
    return
  }
  func.func @transform_0(%arg0: i32) -> (i32, i32) {
    %c0_i32 = arith.constant 0 : i32
    %c0_i32_0 = arith.constant 0 : i32
    return %arg0, %c0_i32 : i32, i32
  }
  func.func @transform_1(%arg0: i32) -> (i32, i32) {
    %c0_i32 = arith.constant 0 : i32
    %c0_i32_0 = arith.constant 0 : i32
    %c0_i32_1 = arith.constant 0 : i32
    return %c0_i32, %c0_i32_0 : i32, i32
  }
  func.func @transform_2(%arg0: i32) -> (i32, i32) {
    %c0_i32 = arith.constant 0 : i32
    %c0_i32_0 = arith.constant 0 : i32
    return %arg0, %c0_i32 : i32, i32
  }
}

module attributes {stable_mosaic.version = 14 : i64} {
  func.func @_layer_kern(%arg0: i32, %arg1: memref<1000x256xf32, #tpu.memory_space<vmem>>, %arg2: memref<1000x256xf32, #tpu.memory_space<vmem>>, %arg3: memref<1000x16xf32, #tpu.memory_space<vmem>>, %arg4: memref<256x256xf32, #tpu.memory_space<vmem>>, %arg5: memref<256x256xf32, #tpu.memory_space<vmem>>, %arg6: memref<1x256xf32, #tpu.memory_space<vmem>>, %arg7: memref<1000x256xf32, #tpu.memory_space<vmem>>) attributes {dimension_semantics = [#tpu.dimension_semantics<arbitrary>], iteration_bounds = array<i64: 5>, scalar_prefetch = 0 : i64, scratch_operands = 0 : i64, tpu.core_type = #tpu.core_type<tc>, window_params = [{transform_indices = @transform_0, window_bounds = array<i64: 1000, 256>}, {transform_indices = @transform_1, window_bounds = array<i64: 1000, 256>}, {transform_indices = @transform_2, window_bounds = array<i64: 1000, 16>}, {pipeline_mode = #tpu.pipeline_mode<synchronous>, transform_indices = @transform_3, window_bounds = array<i64: 256, 256>}, {pipeline_mode = #tpu.pipeline_mode<synchronous>, transform_indices = @transform_4, window_bounds = array<i64: 256, 256>}, {pipeline_mode = #tpu.pipeline_mode<synchronous>, transform_indices = @transform_5, window_bounds = array<i64: 1, 256>}, {transform_indices = @transform_6, window_bounds = array<i64: 1000, 256>}]} {
    %get3A = arith.constant 0 : index
    %get3A_0 = arith.constant 0 : index
    %get3A_1 = vector.load %arg3[%get3A, %get3A_0] : memref<1000x16xf32, #tpu.memory_space<vmem>>, vector<1000x1xf32>
    %max3A = arith.constant 1.000000e+00 : f32
    %max3A_2 = vector.broadcast %max3A : f32 to vector<1000x1xf32>
    %max3A_3 = arith.maximumf %get3A_1, %max3A_2 : vector<1000x1xf32>
    %div3A = arith.constant 1.000000e+00 : f32
    %div3A_4 = vector.broadcast %div3A : f32 to vector<1000x1xf32>
    %div3A_5 = arith.divf %div3A_4, %max3A_3 : vector<1000x1xf32>
    %get3A_6 = arith.constant 0 : index
    %get3A_7 = arith.constant 0 : index
    %get3A_8 = vector.load %arg2[%get3A_6, %get3A_7] : memref<1000x256xf32, #tpu.memory_space<vmem>>, vector<1000x256xf32>
    %mul3A = vector.broadcast %div3A_5 : vector<1000x1xf32> to vector<1000x256xf32>
    %mul3A_9 = arith.mulf %get3A_8, %mul3A : vector<1000x256xf32>
    %get3A_10 = arith.constant 0 : index
    %get3A_11 = arith.constant 0 : index
    %get3A_12 = vector.load %arg1[%get3A_10, %get3A_11] : memref<1000x256xf32, #tpu.memory_space<vmem>>, vector<1000x256xf32>
    %get3A_13 = arith.constant 0 : index
    %get3A_14 = arith.constant 0 : index
    %get3A_15 = vector.load %arg4[%get3A_13, %get3A_14] : memref<256x256xf32, #tpu.memory_space<vmem>>, vector<256x256xf32>
    %dot_general3A = arith.constant dense<0.000000e+00> : vector<1000x256xf32>
    %dot_general3A_16 = tpu.matmul %get3A_12, %get3A_15, %dot_general3A {dimension_numbers = #tpu.dot_dimension_numbers<[1], [0], [0], [1], [0, 0, 1, 1], [], []>, transpose_lhs_hint = false} : vector<1000x256xf32>, vector<256x256xf32>, vector<1000x256xf32> -> vector<1000x256xf32>
    %get3A_17 = arith.constant 0 : index
    %get3A_18 = arith.constant 0 : index
    %get3A_19 = vector.load %arg5[%get3A_17, %get3A_18] : memref<256x256xf32, #tpu.memory_space<vmem>>, vector<256x256xf32>
    %dot_general3A_20 = arith.constant dense<0.000000e+00> : vector<1000x256xf32>
    %dot_general3A_21 = tpu.matmul %mul3A_9, %get3A_19, %dot_general3A_20 {dimension_numbers = #tpu.dot_dimension_numbers<[1], [0], [0], [1], [0, 0, 1, 1], [], []>, transpose_lhs_hint = false} : vector<1000x256xf32>, vector<256x256xf32>, vector<1000x256xf32> -> vector<1000x256xf32>
    %add3A = arith.addf %dot_general3A_16, %dot_general3A_21 : vector<1000x256xf32>
    %get3A_22 = arith.constant 0 : index
    %get3A_23 = arith.constant 0 : index
    %get3A_24 = vector.load %arg6[%get3A_22, %get3A_23] : memref<1x256xf32, #tpu.memory_space<vmem>>, vector<1x256xf32>
    %add3A_25 = vector.broadcast %get3A_24 : vector<1x256xf32> to vector<1000x256xf32>
    %add3A_26 = arith.addf %add3A, %add3A_25 : vector<1000x256xf32>
    %max3A_27 = arith.constant 0.000000e+00 : f32
    %max3A_28 = vector.broadcast %max3A_27 : f32 to vector<1000x256xf32>
    %max3A_29 = arith.maximumf %add3A_26, %max3A_28 : vector<1000x256xf32>
    %swap3A = arith.constant 0 : index
    %swap3A_30 = arith.constant 0 : index
    %swap3A_31 = vector.load %arg7[%swap3A, %swap3A_30] : memref<1000x256xf32, #tpu.memory_space<vmem>>, vector<1000x256xf32>
    tpu.vector_store %arg7[%swap3A, %swap3A_30], %max3A_29 {strides = array<i32>} : memref<1000x256xf32, #tpu.memory_space<vmem>>, vector<1000x256xf32>,
    return
  }
  func.func @transform_0(%arg0: i32) -> (i32, i32) {
    %c0_i32 = arith.constant 0 : i32
    %c0_i32_0 = arith.constant 0 : i32
    return %arg0, %c0_i32 : i32, i32
  }
  func.func @transform_1(%arg0: i32) -> (i32, i32) {
    %c0_i32 = arith.constant 0 : i32
    %c0_i32_0 = arith.constant 0 : i32
    return %arg0, %c0_i32 : i32, i32
  }
  func.func @transform_2(%arg0: i32) -> (i32, i32) {
    %c0_i32 = arith.constant 0 : i32
    %c0_i32_0 = arith.constant 0 : i32
    return %arg0, %c0_i32 : i32, i32
  }
  func.func @transform_3(%arg0: i32) -> (i32, i32) {
    %c0_i32 = arith.constant 0 : i32
    %c0_i32_0 = arith.constant 0 : i32
    %c0_i32_1 = arith.constant 0 : i32
    return %c0_i32, %c0_i32_0 : i32, i32
  }
  func.func @transform_4(%arg0: i32) -> (i32, i32) {
    %c0_i32 = arith.constant 0 : i32
    %c0_i32_0 = arith.constant 0 : i32
    %c0_i32_1 = arith.constant 0 : i32
    return %c0_i32, %c0_i32_0 : i32, i32
  }
  func.func @transform_5(%arg0: i32) -> (i32, i32) {
    %c0_i32 = arith.constant 0 : i32
    %c0_i32_0 = arith.constant 0 : i32
    %c0_i32_1 = arith.constant 0 : i32
    return %c0_i32, %c0_i32_0 : i32, i32
  }
  func.func @transform_6(%arg0: i32) -> (i32, i32) {
    %c0_i32 = arith.constant 0 : i32
    %c0_i32_0 = arith.constant 0 : i32
    return %arg0, %c0_i32 : i32, i32
  }
}

module attributes {stable_mosaic.version = 14 : i64} {
  func.func @_mm_n_kern(%arg0: i32, %arg1: memref<384x1280xi32, #tpu.memory_space<vmem>>, %arg2: memref<5120x256xbf16, #tpu.memory_space<vmem>>, %arg3: memref<384x256xf32, #tpu.memory_space<vmem>>) attributes {dimension_semantics = [#tpu.dimension_semantics<arbitrary>], iteration_bounds = array<i64: 14>, scalar_prefetch = 0 : i64, scratch_operands = 0 : i64, tpu.core_type = #tpu.core_type<tc>, window_params = [{transform_indices = @transform_0, window_bounds = array<i64: 384, 1280>}, {pipeline_mode = #tpu.pipeline_mode<synchronous>, transform_indices = @transform_1, window_bounds = array<i64: 5120, 256>}, {transform_indices = @transform_2, window_bounds = array<i64: 384, 256>}]} {
    %get3A = arith.constant 0 : index
    %get3A_0 = arith.constant 0 : index
    %get3A_1 = vector.load %arg1[%get3A, %get3A_0] : memref<384x1280xi32, #tpu.memory_space<vmem>>, vector<384x1280xi32>
    %shift_right_arithmetic3A = arith.constant 0 : i32
    %shift_right_arithmetic3A_2 = vector.broadcast %shift_right_arithmetic3A : i32 to vector<384x1280xi32>
    %shift_right_arithmetic3A_3 = arith.shrsi %get3A_1, %shift_right_arithmetic3A_2 : vector<384x1280xi32>
    %and3A = arith.constant 255 : i32
    %and3A_4 = vector.broadcast %and3A : i32 to vector<384x1280xi32>
    %and3A_5 = arith.andi %shift_right_arithmetic3A_3, %and3A_4 : vector<384x1280xi32>
    %convert_element_type3A = arith.sitofp %and3A_5 : vector<384x1280xi32> to vector<384x1280xbf16>
    %shift_right_arithmetic3A_6 = arith.constant 8 : i32
    %shift_right_arithmetic3A_7 = vector.broadcast %shift_right_arithmetic3A_6 : i32 to vector<384x1280xi32>
    %shift_right_arithmetic3A_8 = arith.shrsi %get3A_1, %shift_right_arithmetic3A_7 : vector<384x1280xi32>
    %and3A_9 = arith.constant 255 : i32
    %and3A_10 = vector.broadcast %and3A_9 : i32 to vector<384x1280xi32>
    %and3A_11 = arith.andi %shift_right_arithmetic3A_8, %and3A_10 : vector<384x1280xi32>
    %convert_element_type3A_12 = arith.sitofp %and3A_11 : vector<384x1280xi32> to vector<384x1280xbf16>
    %shift_right_arithmetic3A_13 = arith.constant 16 : i32
    %shift_right_arithmetic3A_14 = vector.broadcast %shift_right_arithmetic3A_13 : i32 to vector<384x1280xi32>
    %shift_right_arithmetic3A_15 = arith.shrsi %get3A_1, %shift_right_arithmetic3A_14 : vector<384x1280xi32>
    %and3A_16 = arith.constant 255 : i32
    %and3A_17 = vector.broadcast %and3A_16 : i32 to vector<384x1280xi32>
    %and3A_18 = arith.andi %shift_right_arithmetic3A_15, %and3A_17 : vector<384x1280xi32>
    %convert_element_type3A_19 = arith.sitofp %and3A_18 : vector<384x1280xi32> to vector<384x1280xbf16>
    %shift_right_arithmetic3A_20 = arith.constant 24 : i32
    %shift_right_arithmetic3A_21 = vector.broadcast %shift_right_arithmetic3A_20 : i32 to vector<384x1280xi32>
    %shift_right_arithmetic3A_22 = arith.shrsi %get3A_1, %shift_right_arithmetic3A_21 : vector<384x1280xi32>
    %and3A_23 = arith.constant 255 : i32
    %and3A_24 = vector.broadcast %and3A_23 : i32 to vector<384x1280xi32>
    %and3A_25 = arith.andi %shift_right_arithmetic3A_22, %and3A_24 : vector<384x1280xi32>
    %convert_element_type3A_26 = arith.sitofp %and3A_25 : vector<384x1280xi32> to vector<384x1280xbf16>
    %concatenate3A = tpu.concatenate %convert_element_type3A, %convert_element_type3A_12, %convert_element_type3A_19, %convert_element_type3A_26 in 1 : vector<384x1280xbf16>, vector<384x1280xbf16>, vector<384x1280xbf16>, vector<384x1280xbf16> -> vector<384x5120xbf16>
    %get3A_27 = arith.constant 0 : index
    %get3A_28 = arith.constant 0 : index
    %get3A_29 = vector.load %arg2[%get3A_27, %get3A_28] : memref<5120x256xbf16, #tpu.memory_space<vmem>>, vector<5120x256xbf16>
    %dot_general3A = arith.constant dense<0.000000e+00> : vector<384x256xf32>
    %dot_general3A_30 = tpu.matmul %concatenate3A, %get3A_29, %dot_general3A {dimension_numbers = #tpu.dot_dimension_numbers<[1], [0], [0], [1], [0, 0, 1, 1], [], []>, transpose_lhs_hint = false} : vector<384x5120xbf16>, vector<5120x256xbf16>, vector<384x256xf32> -> vector<384x256xf32>
    %swap3A = arith.constant 0 : index
    %swap3A_31 = arith.constant 0 : index
    %swap3A_32 = vector.load %arg3[%swap3A, %swap3A_31] : memref<384x256xf32, #tpu.memory_space<vmem>>, vector<384x256xf32>
    tpu.vector_store %arg3[%swap3A, %swap3A_31], %dot_general3A_30 {strides = array<i32>} : memref<384x256xf32, #tpu.memory_space<vmem>>, vector<384x256xf32>,
    return
  }
  func.func @transform_0(%arg0: i32) -> (i32, i32) {
    %c0_i32 = arith.constant 0 : i32
    %c0_i32_0 = arith.constant 0 : i32
    return %arg0, %c0_i32 : i32, i32
  }
  func.func @transform_1(%arg0: i32) -> (i32, i32) {
    %c0_i32 = arith.constant 0 : i32
    %c0_i32_0 = arith.constant 0 : i32
    %c0_i32_1 = arith.constant 0 : i32
    return %c0_i32, %c0_i32_0 : i32, i32
  }
  func.func @transform_2(%arg0: i32) -> (i32, i32) {
    %c0_i32 = arith.constant 0 : i32
    %c0_i32_0 = arith.constant 0 : i32
    return %arg0, %c0_i32 : i32, i32
  }
}

module attributes {stable_mosaic.version = 14 : i64} {
  func.func @_mm_t_kern(%arg0: i32, %arg1: memref<5376x256xi32, #tpu.memory_space<vmem>>, %arg2: memref<5376x256xbf16, #tpu.memory_space<vmem>>, %arg3: memref<256x256xf32, #tpu.memory_space<vmem>>) attributes {dimension_semantics = [#tpu.dimension_semantics<arbitrary>], iteration_bounds = array<i64: 20>, scalar_prefetch = 0 : i64, scratch_operands = 0 : i64, tpu.core_type = #tpu.core_type<tc>, window_params = [{transform_indices = @transform_0, window_bounds = array<i64: 5376, 256>}, {pipeline_mode = #tpu.pipeline_mode<synchronous>, transform_indices = @transform_1, window_bounds = array<i64: 5376, 256>}, {transform_indices = @transform_2, window_bounds = array<i64: 256, 256>}]} {
    %jit3A = arith.constant 5 : i64
    %convert_element_type3A = arith.trunci %jit3A : i64 to i32
    %div3A = arith.divsi %arg0, %convert_element_type3A : i32
    %sign3A = arith.constant 0 : i32
    %sign3A_0 = arith.cmpi sgt, %arg0, %sign3A : i32
    %sign3A_1 = arith.extui %sign3A_0 : i1 to i32
    %sign3A_2 = arith.constant 0 : i32
    %sign3A_3 = arith.cmpi slt, %arg0, %sign3A_2 : i32
    %sign3A_4 = arith.extui %sign3A_3 : i1 to i32
    %sign3A_5 = arith.subi %sign3A_1, %sign3A_4 : i32
    %sign3A_6 = arith.constant 0 : i32
    %sign3A_7 = arith.cmpi sgt, %convert_element_type3A, %sign3A_6 : i32
    %sign3A_8 = arith.extui %sign3A_7 : i1 to i32
    %sign3A_9 = arith.constant 0 : i32
    %sign3A_10 = arith.cmpi slt, %convert_element_type3A, %sign3A_9 : i32
    %sign3A_11 = arith.extui %sign3A_10 : i1 to i32
    %sign3A_12 = arith.subi %sign3A_8, %sign3A_11 : i32
    %ne3A = arith.cmpi ne, %sign3A_5, %sign3A_12 : i32
    %rem3A = arith.remsi %arg0, %convert_element_type3A : i32
    %ne3A_13 = arith.constant 0 : i32
    %ne3A_14 = arith.cmpi ne, %rem3A, %ne3A_13 : i32
    %and3A = arith.andi %ne3A, %ne3A_14 : i1
    %sub3A = arith.constant 1 : i32
    %sub3A_15 = arith.subi %div3A, %sub3A : i32
    %select_n3A = arith.select %and3A, %sub3A_15, %div3A : i32
    %get3A = arith.constant 0 : index
    %get3A_16 = arith.constant 0 : index
    %get3A_17 = vector.load %arg1[%get3A, %get3A_16] : memref<5376x256xi32, #tpu.memory_space<vmem>>, vector<5376x256xi32>
    %mul3A = arith.constant 8 : i32
    %mul3A_18 = arith.muli %mul3A, %select_n3A : i32
    %shift_right_arithmetic3A = vector.broadcast %mul3A_18 : i32 to vector<5376x256xi32>
    %shift_right_arithmetic3A_19 = arith.shrsi %get3A_17, %shift_right_arithmetic3A : vector<5376x256xi32>
    %and3A_20 = arith.constant 255 : i32
    %and3A_21 = vector.broadcast %and3A_20 : i32 to vector<5376x256xi32>
    %and3A_22 = arith.andi %shift_right_arithmetic3A_19, %and3A_21 : vector<5376x256xi32>
    %convert_element_type3A_23 = arith.sitofp %and3A_22 : vector<5376x256xi32> to vector<5376x256xbf16>
    %get3A_24 = arith.constant 0 : index
    %get3A_25 = arith.constant 0 : index
    %get3A_26 = vector.load %arg2[%get3A_24, %get3A_25] : memref<5376x256xbf16, #tpu.memory_space<vmem>>, vector<5376x256xbf16>
    %dot_general3A = arith.constant dense<0.000000e+00> : vector<256x256xf32>
    %dot_general3A_27 = tpu.matmul %convert_element_type3A_23, %get3A_26, %dot_general3A {dimension_numbers = #tpu.dot_dimension_numbers<[0], [0], [1], [1], [0, 1, 1, 1], [], []>, transpose_lhs_hint = false} : vector<5376x256xbf16>, vector<5376x256xbf16>, vector<256x256xf32> -> vector<256x256xf32>
    %swap3A = arith.constant 0 : index
    %swap3A_28 = arith.constant 0 : index
    %swap3A_29 = vector.load %arg3[%swap3A, %swap3A_28] : memref<256x256xf32, #tpu.memory_space<vmem>>, vector<256x256xf32>
    tpu.vector_store %arg3[%swap3A, %swap3A_28], %dot_general3A_27 {strides = array<i32>} : memref<256x256xf32, #tpu.memory_space<vmem>>, vector<256x256xf32>,
    return
  }
  func.func @transform_0(%arg0: i32) -> (i32, i32) {
    %jit3A = arith.constant 5 : i64
    %convert_element_type3A = arith.trunci %jit3A : i64 to i32
    %eq3A = arith.constant 0 : i32
    %eq3A_0 = arith.cmpi eq, %convert_element_type3A, %eq3A : i32
    %jit3A_1 = arith.constant 1 : i32
    %select_n3A = arith.select %eq3A_0, %jit3A_1, %convert_element_type3A : i32
    %rem3A = arith.remsi %arg0, %select_n3A : i32
    %ne3A = arith.constant 0 : i32
    %ne3A_2 = arith.cmpi ne, %rem3A, %ne3A : i32
    %lt3A = arith.constant 0 : i32
    %lt3A_3 = arith.cmpi slt, %rem3A, %lt3A : i32
    %lt3A_4 = arith.constant 0 : i32
    %lt3A_5 = arith.cmpi slt, %select_n3A, %lt3A_4 : i32
    %ne3A_6 = arith.xori %lt3A_3, %lt3A_5 : i1
    %and3A = arith.andi %ne3A_6, %ne3A_2 : i1
    %add3A = arith.addi %rem3A, %select_n3A : i32
    %select_n3A_7 = arith.select %and3A, %add3A, %rem3A : i32
    %c0_i32 = arith.constant 0 : i32
    %c0_i32_8 = arith.constant 0 : i32
    return %c0_i32, %select_n3A_7 : i32, i32
  }
  func.func @transform_1(%arg0: i32) -> (i32, i32) {
    %c0_i32 = arith.constant 0 : i32
    %c0_i32_0 = arith.constant 0 : i32
    %c0_i32_1 = arith.constant 0 : i32
    return %c0_i32, %c0_i32_0 : i32, i32
  }
  func.func @transform_2(%arg0: i32) -> (i32, i32) {
    %c0_i32 = arith.constant 0 : i32
    %c0_i32_0 = arith.constant 0 : i32
    return %arg0, %c0_i32 : i32, i32
  }
}

module attributes {stable_mosaic.version = 14 : i64} {
  func.func @_proj_kern(%arg0: i32, %arg1: memref<1000x256xf32, #tpu.memory_space<vmem>>, %arg2: memref<1000x256xf32, #tpu.memory_space<vmem>>, %arg3: memref<1000x16xf32, #tpu.memory_space<vmem>>, %arg4: memref<256x256xf32, #tpu.memory_space<vmem>>, %arg5: memref<256x256xf32, #tpu.memory_space<vmem>>, %arg6: memref<1x256xf32, #tpu.memory_space<vmem>>, %arg7: memref<256x16xf32, #tpu.memory_space<vmem>>, %arg8: memref<1x16xf32, #tpu.memory_space<vmem>>, %arg9: memref<1000x16xf32, #tpu.memory_space<vmem>>) attributes {dimension_semantics = [#tpu.dimension_semantics<arbitrary>], iteration_bounds = array<i64: 5>, scalar_prefetch = 0 : i64, scratch_operands = 0 : i64, tpu.core_type = #tpu.core_type<tc>, window_params = [{transform_indices = @transform_0, window_bounds = array<i64: 1000, 256>}, {transform_indices = @transform_1, window_bounds = array<i64: 1000, 256>}, {transform_indices = @transform_2, window_bounds = array<i64: 1000, 16>}, {pipeline_mode = #tpu.pipeline_mode<synchronous>, transform_indices = @transform_3, window_bounds = array<i64: 256, 256>}, {pipeline_mode = #tpu.pipeline_mode<synchronous>, transform_indices = @transform_4, window_bounds = array<i64: 256, 256>}, {pipeline_mode = #tpu.pipeline_mode<synchronous>, transform_indices = @transform_5, window_bounds = array<i64: 1, 256>}, {pipeline_mode = #tpu.pipeline_mode<synchronous>, transform_indices = @transform_6, window_bounds = array<i64: 256, 16>}, {pipeline_mode = #tpu.pipeline_mode<synchronous>, transform_indices = @transform_7, window_bounds = array<i64: 1, 16>}, {transform_indices = @transform_8, window_bounds = array<i64: 1000, 16>}]} {
    %get3A = arith.constant 0 : index
    %get3A_0 = arith.constant 0 : index
    %get3A_1 = vector.load %arg3[%get3A, %get3A_0] : memref<1000x16xf32, #tpu.memory_space<vmem>>, vector<1000x1xf32>
    %max3A = arith.constant 1.000000e+00 : f32
    %max3A_2 = vector.broadcast %max3A : f32 to vector<1000x1xf32>
    %max3A_3 = arith.maximumf %get3A_1, %max3A_2 : vector<1000x1xf32>
    %div3A = arith.constant 1.000000e+00 : f32
    %div3A_4 = vector.broadcast %div3A : f32 to vector<1000x1xf32>
    %div3A_5 = arith.divf %div3A_4, %max3A_3 : vector<1000x1xf32>
    %get3A_6 = arith.constant 0 : index
    %get3A_7 = arith.constant 0 : index
    %get3A_8 = vector.load %arg2[%get3A_6, %get3A_7] : memref<1000x256xf32, #tpu.memory_space<vmem>>, vector<1000x256xf32>
    %mul3A = vector.broadcast %div3A_5 : vector<1000x1xf32> to vector<1000x256xf32>
    %mul3A_9 = arith.mulf %get3A_8, %mul3A : vector<1000x256xf32>
    %get3A_10 = arith.constant 0 : index
    %get3A_11 = arith.constant 0 : index
    %get3A_12 = vector.load %arg1[%get3A_10, %get3A_11] : memref<1000x256xf32, #tpu.memory_space<vmem>>, vector<1000x256xf32>
    %get3A_13 = arith.constant 0 : index
    %get3A_14 = arith.constant 0 : index
    %get3A_15 = vector.load %arg4[%get3A_13, %get3A_14] : memref<256x256xf32, #tpu.memory_space<vmem>>, vector<256x256xf32>
    %dot_general3A = arith.constant dense<0.000000e+00> : vector<1000x256xf32>
    %dot_general3A_16 = tpu.matmul %get3A_12, %get3A_15, %dot_general3A {dimension_numbers = #tpu.dot_dimension_numbers<[1], [0], [0], [1], [0, 0, 1, 1], [], []>, transpose_lhs_hint = false} : vector<1000x256xf32>, vector<256x256xf32>, vector<1000x256xf32> -> vector<1000x256xf32>
    %get3A_17 = arith.constant 0 : index
    %get3A_18 = arith.constant 0 : index
    %get3A_19 = vector.load %arg5[%get3A_17, %get3A_18] : memref<256x256xf32, #tpu.memory_space<vmem>>, vector<256x256xf32>
    %dot_general3A_20 = arith.constant dense<0.000000e+00> : vector<1000x256xf32>
    %dot_general3A_21 = tpu.matmul %mul3A_9, %get3A_19, %dot_general3A_20 {dimension_numbers = #tpu.dot_dimension_numbers<[1], [0], [0], [1], [0, 0, 1, 1], [], []>, transpose_lhs_hint = false} : vector<1000x256xf32>, vector<256x256xf32>, vector<1000x256xf32> -> vector<1000x256xf32>
    %add3A = arith.addf %dot_general3A_16, %dot_general3A_21 : vector<1000x256xf32>
    %get3A_22 = arith.constant 0 : index
    %get3A_23 = arith.constant 0 : index
    %get3A_24 = vector.load %arg6[%get3A_22, %get3A_23] : memref<1x256xf32, #tpu.memory_space<vmem>>, vector<1x256xf32>
    %add3A_25 = vector.broadcast %get3A_24 : vector<1x256xf32> to vector<1000x256xf32>
    %add3A_26 = arith.addf %add3A, %add3A_25 : vector<1000x256xf32>
    %get3A_27 = arith.constant 0 : index
    %get3A_28 = arith.constant 0 : index
    %get3A_29 = vector.load %arg7[%get3A_27, %get3A_28] : memref<256x16xf32, #tpu.memory_space<vmem>>, vector<256x16xf32>
    %dot_general3A_30 = arith.constant dense<0.000000e+00> : vector<1000x16xf32>
    %dot_general3A_31 = tpu.matmul %add3A_26, %get3A_29, %dot_general3A_30 {dimension_numbers = #tpu.dot_dimension_numbers<[1], [0], [0], [1], [0, 0, 1, 1], [], []>, transpose_lhs_hint = false} : vector<1000x256xf32>, vector<256x16xf32>, vector<1000x16xf32> -> vector<1000x16xf32>
    %get3A_32 = arith.constant 0 : index
    %get3A_33 = arith.constant 0 : index
    %get3A_34 = vector.load %arg8[%get3A_32, %get3A_33] : memref<1x16xf32, #tpu.memory_space<vmem>>, vector<1x16xf32>
    %add3A_35 = vector.broadcast %get3A_34 : vector<1x16xf32> to vector<1000x16xf32>
    %add3A_36 = arith.addf %dot_general3A_31, %add3A_35 : vector<1000x16xf32>
    %swap3A = arith.constant 0 : index
    %swap3A_37 = arith.constant 0 : index
    %swap3A_38 = vector.load %arg9[%swap3A, %swap3A_37] : memref<1000x16xf32, #tpu.memory_space<vmem>>, vector<1000x16xf32>
    tpu.vector_store %arg9[%swap3A, %swap3A_37], %add3A_36 {strides = array<i32>} : memref<1000x16xf32, #tpu.memory_space<vmem>>, vector<1000x16xf32>,
    return
  }
  func.func @transform_0(%arg0: i32) -> (i32, i32) {
    %c0_i32 = arith.constant 0 : i32
    %c0_i32_0 = arith.constant 0 : i32
    return %arg0, %c0_i32 : i32, i32
  }
  func.func @transform_1(%arg0: i32) -> (i32, i32) {
    %c0_i32 = arith.constant 0 : i32
    %c0_i32_0 = arith.constant 0 : i32
    return %arg0, %c0_i32 : i32, i32
  }
  func.func @transform_2(%arg0: i32) -> (i32, i32) {
    %c0_i32 = arith.constant 0 : i32
    %c0_i32_0 = arith.constant 0 : i32
    return %arg0, %c0_i32 : i32, i32
  }
  func.func @transform_3(%arg0: i32) -> (i32, i32) {
    %c0_i32 = arith.constant 0 : i32
    %c0_i32_0 = arith.constant 0 : i32
    %c0_i32_1 = arith.constant 0 : i32
    return %c0_i32, %c0_i32_0 : i32, i32
  }
  func.func @transform_4(%arg0: i32) -> (i32, i32) {
    %c0_i32 = arith.constant 0 : i32
    %c0_i32_0 = arith.constant 0 : i32
    %c0_i32_1 = arith.constant 0 : i32
    return %c0_i32, %c0_i32_0 : i32, i32
  }
  func.func @transform_5(%arg0: i32) -> (i32, i32) {
    %c0_i32 = arith.constant 0 : i32
    %c0_i32_0 = arith.constant 0 : i32
    %c0_i32_1 = arith.constant 0 : i32
    return %c0_i32, %c0_i32_0 : i32, i32
  }
  func.func @transform_6(%arg0: i32) -> (i32, i32) {
    %c0_i32 = arith.constant 0 : i32
    %c0_i32_0 = arith.constant 0 : i32
    %c0_i32_1 = arith.constant 0 : i32
    return %c0_i32, %c0_i32_0 : i32, i32
  }
  func.func @transform_7(%arg0: i32) -> (i32, i32) {
    %c0_i32 = arith.constant 0 : i32
    %c0_i32_0 = arith.constant 0 : i32
    %c0_i32_1 = arith.constant 0 : i32
    return %c0_i32, %c0_i32_0 : i32, i32
  }
  func.func @transform_8(%arg0: i32) -> (i32, i32) {
    %c0_i32 = arith.constant 0 : i32
    %c0_i32_0 = arith.constant 0 : i32
    return %arg0, %c0_i32 : i32, i32
  }
}

</mosaic_0001>

<sc_bundles>
// kernel: kernel.12.cloned.1.call-start
scs
__scs_entry_jumppad:
0x0: {  	(pc) =	sbr.rel $0x88, $3  }
0x1: {  	(tag) =	ssettag $0x0;
	lr =	simm.s32 $0x1  }
0x2: {  	[smem:$0x3F94] =	sst lr;
	_ =	strace $0xD0000000  }
0x3: {  	_ = 	snop  }
0x4: {  	_ = 	snop  }
0x5: {  	_ = 	snop  }
0x6: {  	_ = 	snop  }
0x7: {  	_ = 	snop  }
__scs_overlays_trampoline_lowered:
0x8: {  	[smem:$0x3FA3] =	sst s0  }
0x9: {  	[smem:$0x3FA4] =	sst s1  }
0xa: {  	[smem:$0x3FA5] =	sst s2  }
0xb: {  	[smem:$0x3FA6] =	sst s3  }
0xc: {  	[smem:$0x3FA7] =	sst s4  }
0xd: {  	[smem:$0x3FA8] =	sst s5  }
0xe: {  	[smem:$0x3FA9] =	sst s6  }
0xf: {  	[smem:$0x3FAA] =	sst s7  }
0x10: {  	[smem:$0x3FAB] =	sst s8  }
0x11: {  	[smem:$0x3FAC] =	sst s9;
	s0 =	simm.s32 @!p0 $0x0  }
0x12: {  	s1 =	sld [smem:$0x3F92];
	s0 =	simm.s32 @p0 $0x1  }
0x13: {  	[smem:$0x3FAD] =	sst s0;
	s0 =	simm.s32 @!p1 $0x0  }
0x14: {  	s2 =	sld [smem:$0x3F91];
	s0 =	simm.s32 @p1 $0x1  }
0x15: {  	[smem:$0x3FAE] =	sst s0;
	s0 =	simm.s32 @!p2 $0x0  }
0x16: {  	s3 =	sld [smem:$0x3FDB];
	s0 =	simm.s32 @p2 $0x1  }
0x17: {  	s4 =	simm.s32 $0x1BF5;
	[smem:$0x3FB0] =	sst s0  }
0x18: {  	s0 =	sld [smem:$0x3F93];
	_ =	swait.ge [sflag:s4], $0x0  }
0x19: {  	s7 =	sld [smem:$0x3F94]  }
0x1a: {  	s8 =	sadd.s32 $0xFFFFE003, lr  }
0x1b: {  	s9 =	sadd.s32 $0xFFFFFEF7, lr;
	s5 =	simm.s32 $0xFFFFFFFF;
	p2 =	slt.u32 s8, $0xFFFFF086  }
0x1c: {  	p1 =	slt.u32 s9, $0xF7A;
	s5 =	simm.s32 @!p2 $0x0  }
0x1d: {  	s5 =	simm.s32 @p1 $0x1;
	p0 =	seq.s32 s7, s2  }
0x1e: {  	s7 =	smul.u32 @!p0 $0xF7A, s2;
	p2 =	seq.s32 @!p0 s5, $0x0  }
0x1f: {  	s9 =	smul.u32 $0xF7A, s1;
	s8 =	simm.s32 @!p0 $0x1BF5;
	p2 =	por !p2, p0  }
0x20: {  	[sflag:s8] =	ssyncset.s32 @!p0 $0xFFFFF086;
	s6 =	sadd.s32 @!p0 s3, s7;
	s7 =	simm.s32 @!p0 $0x108  }
0x21: {  	s3 =	sadd.s32 s3, s9;
	s6 =	sadd.s32 @!p0 $0x88, s6;
	s7 =	simm.s32 @p2 $0x1082  }
0x22: {  	[simem:s7], [sflag:s8] =	dma.local @!p0 [hbm:s6], $0xF7A  }
0x23: {  	s9 =	sor.u32 $0xD0000000, s2;
	s6 =	simm.s32 $0x108;
	_ =	swait.ge @!p0 [sflag:s8], $0x0  }
0x24: {  	s3 =	sadd.s32 $0x88, s3;
	s6 =	simm.s32 @!p1 $0x1082;
	[sflag:s4] =	ssyncset.s32 $0xFFFFF086  }
0x25: {  	[simem:s6], [sflag:s4] =	dma.local [hbm:s3], $0xF7A  }
0x26: {  	[smem:$0x3F94] =	sst s1;
	(tag) =	ssettag s2;
	_ =	strace s9  }
0x27: {  	s1 =	sld [smem:$0x3FA4]  }
0x28: {  	s2 =	sld [smem:$0x3FA5]  }
0x29: {  	s4 =	sld [smem:$0x3FA7]  }
0x2a: {  	p0 =	seq.s32 s5, $0x0;
	s5 =	sld [smem:$0x3FA8]  }
0x2b: {  	s6 =	sld [smem:$0x3FA9]  }
0x2c: {  	s7 =	sld [smem:$0x3FAA]  }
0x2d: {  	s3 =	simm.s32 $0x108;
	s8 =	sld [smem:$0x3FAB]  }
0x2e: {  	s3 =	simm.s32 @!p0 $0x1082;
	s9 =	sld [smem:$0x3FAC]  }
0x2f: {  	lr =	sadd.s32 s0, s3;
	s0 =	sld [smem:$0x3FA3]  }
0x30: {  	s3 =	sld [smem:$0x3FA6]  }
0x31: {  	[smem:$0x3FAF] =	sst s10  }
0x32: {  	s10 =	sld [smem:$0x3FAD];
	_ =	sdelay $0x3  }
0x33: {  	p0 =	seq.s32 s10, $0x1;
	s10 =	sld [smem:$0x3FAF];
	_ =	sdelay $0x3  }
0x34: {  	[smem:$0x3FAF] =	sst s10  }
0x35: {  	s10 =	sld [smem:$0x3FAE];
	_ =	sdelay $0x3  }
0x36: {  	p1 =	seq.s32 s10, $0x1;
	s10 =	sld [smem:$0x3FAF];
	_ =	sdelay $0x3  }
0x37: {  	[smem:$0x3FAF] =	sst s10  }
0x38: {  	s10 =	sld [smem:$0x3FB0]  }
0x39: {  	_ = 	snop;
	(pc) =	sbr.ind lr, $3  }
0x3a: {  	_ = 	snop  }
0x3b: {  	_ = 	snop  }
0x3c: {  	p2 =	seq.s32 s10, $0x1;
	s10 =	sld [smem:$0x3FAF]  }
0x3d: {  	_ =	shalt  }
0x3e: {  	_ =	shalt  }
0x3f: {  	_ =	shalt  }
0x40: {  	_ =	shalt  }
0x41: {  	_ =	shalt  }
0x42: {  	_ =	shalt  }
0x43: {  	_ =	shalt  }
0x44: {  	_ =	shalt  }
0x45: {  	_ =	shalt  }
0x46: {  	_ =	shalt  }
0x47: {  	_ =	shalt  }
0x48: {  	_ =	shalt  }
0x49: {  	_ =	shalt  }
0x4a: {  	_ =	shalt  }
0x4b: {  	_ =	shalt  }
0x4c: {  	_ =	shalt  }
0x4d: {  	_ =	shalt  }
0x4e: {  	_ =	shalt  }
0x4f: {  	_ =	shalt  }
0x50: {  	_ =	shalt  }
0x51: {  	_ =	shalt  }
0x52: {  	_ =	shalt  }
0x53: {  	_ =	shalt  }
0x54: {  	_ =	shalt  }
0x55: {  	_ =	shalt  }
0x56: {  	_ =	shalt  }
0x57: {  	_ =	shalt  }
0x58: {  	_ =	shalt  }
0x59: {  	_ =	shalt  }
0x5a: {  	_ =	shalt  }
0x5b: {  	_ =	shalt  }
0x5c: {  	_ =	shalt  }
0x5d: {  	_ =	shalt  }
0x5e: {  	_ =	shalt  }
0x5f: {  	_ =	shalt  }
0x60: {  	_ =	shalt  }
0x61: {  	_ =	shalt  }
0x62: {  	_ =	shalt  }
0x63: {  	_ =	shalt  }
0x64: {  	_ =	shalt  }
0x65: {  	_ =	shalt  }
0x66: {  	_ =	shalt  }
0x67: {  	_ =	shalt  }
0x68: {  	_ =	shalt  }
0x69: {  	_ =	shalt  }
0x6a: {  	_ =	shalt  }
0x6b: {  	_ =	shalt  }
0x6c: {  	_ =	shalt  }
0x6d: {  	_ =	shalt  }
0x6e: {  	_ =	shalt  }
0x6f: {  	_ =	shalt  }
0x70: {  	_ =	shalt  }
0x71: {  	_ =	shalt  }
0x72: {  	_ =	shalt  }
0x73: {  	_ =	shalt  }
0x74: {  	_ =	shalt  }
0x75: {  	_ =	shalt  }
0x76: {  	_ =	shalt  }
0x77: {  	_ =	shalt  }
0x78: {  	_ =	shalt  }
0x79: {  	_ =	shalt  }
0x7a: {  	_ =	shalt  }
0x7b: {  	_ =	shalt  }
0x7c: {  	_ =	shalt  }
0x7d: {  	_ =	shalt  }
0x7e: {  	_ =	shalt  }
0x7f: {  	_ =	shalt  }
0x80: {  	_ =	shalt  }
0x81: {  	_ =	shalt  }
0x82: {  	_ =	shalt  }
0x83: {  	_ =	shalt  }
0x84: {  	_ =	shalt  }
0x85: {  	_ =	shalt  }
0x86: {  	_ =	shalt  }
0x87: {  	_ =	shalt  }
.Lfunc_end0:
.L_simem_size_0:
called_computation_lowered:
.L_overlay_start_0:
0x88: {  	s2 =	sld [smem:$0x3FD9]  }
0x89: {  	s3 =	sld [smem:$0x3FFE];
	_ =	sdelay $0x1  }
0x8a: {  	s1 =	srdreg.scid  }
0x8b: {  	s0 =	sand.u32 $0x1, s1  }
0x8c: {  	s17 =	sshll.u32 s0, $0xA;
	s2 =	sadd.s32 s3, s2  }
0x8d: {  	s2 =	sadd.s32 s2, s17  }
0x8e: {  	[smem:$0x3FBB] =	sst s2  }
0x8f: {  	_ = 	snop  }
0x90: {  	s2 =	sld [smem:$0x3FD0];
	(tm) =	ssettm $0x1  }
0x91: {  	s18 =	sld [smem:$0x3FFB];
	_ =	sdelay $0x3  }
0x92: {  	_ =	strace s18  }
0x93: {  	s3 =	sld [smem:$0x3FFC];
	_ =	sdelay $0x3  }
0x94: {  	_ =	strace s3  }
0x95: {  	s3 =	sld [smem:$0x3FFD];
	_ =	sdelay $0x3  }
0x96: {  	_ =	strace s3  }
0x97: {  	_ =	strace $0x8FFFFFFF  }
0x98: {  	s19 =	sld [smem:$0x3FDB];
	_ =	sdelay $0x1  }
0x99: {  	s4 =	simm.s32 $_scs_section_size  }
0x9a: {  	s5 =	simm.s32 $_size__tile_overlayer_lowered;
	s6 =	simm.s32 $_tile_overlayer_lowered  }
0x9b: {  	s22 =	simm.s32 $0x1BFF;
	s21 =	sshll.u32 s6, $0x1;
	s3 =	sadd.s32 s4, s19  }
0x9c: {  	s7 =	simm.s32 $0x0;
	s20 =	sshll.u32 s5, $0x1;
	s5 =	sadd.s32 s21, s3  }
0x9d: {  	[timem:s7], [sflag:s22] =	dma.local [hbm:s5], s20  }
0x9e: {  	_ =	swait.ge [sflag:s22], s20  }
0x9f: {  	s4 =	ssub.s32 $0x0, s20;
	[sflag:s22] =	ssyncset.done $0x0  }
0xa0: {  	[sflag:s22] =	ssyncadd.s32 s4;
	_ =	sdelay $0x1  }
0xa1: {  	s23 =	simm.s32 $0x1B8B  }
0xa2: {  	_ =	swait.ge [sflag:s23], $0x1  }
0xa3: {  	[sflag:s23] =	ssyncset.done $0x0  }
0xa4: {  	s25 =	simm.s32 $0x1B8E;
	s24 =	sld [smem:$0x3FFE];
	[sflag:s23] =	ssyncadd.s32 $0xFFFFFFFF  }
0xa5: {  	s26 =	simm.s32 $execute0_lowered;
	[smem:$0x3FD2] =	sst s25  }
0xa6: {  	s5 =	sshll.u32 s26, $0x1;
	_ =	strace $0x80000046;
	[dreg:$0x1] =	wrdreg $0xFFFFFFFF  }
0xa7: {  	s28 =	simm.s32 $_size_execute0_lowered;
	s3 =	sadd.s32 s3, s5;
	[dreg:$0x0] =	wrdreg $0x0  }
0xa8: {  	s5 =	sshll.u32 s28, $0x1;
	[dreg:$0x2] =	wrdreg s3  }
0xa9: {  	[dreg:$0x3] =	wrdreg s5  }
0xaa: {  	[dreg:$0x4] =	wrdreg $0xC0  }
0xab: {  	_ =	task [dreg:s7], $0x5FFFF  }
0xac: {  	[dreg:$0x1] =	wrdreg $0xFFFFFFFF  }
0xad: {  	[dreg:$0x0] =	wrdreg $0x60  }
0xae: {  	[dreg:$0x2] =	wrdreg s2  }
0xaf: {  	[dreg:$0x3] =	wrdreg s24  }
0xb0: {  	[dreg:$0x4] =	wrdreg $0x9  }
0xb1: {  	_ =	task.clear_ibuf [dreg:s7], $0x5FFFF;
	_ =	strace $0x90000046  }
0xb2: {  	s29 =	simm.s32 $0x9;
	_ =	strace $0x80000048  }
0xb3: {  	_ =	swait.ge [sflag:s29], $0x1  }
0xb4: {  	[sflag:s29] =	ssyncadd.s32 $0xFFFFFFFF  }
0xb5: {  	_ =	strace $0x90000048  }
0xb6: {  	_ =	sfence  }
0xb7: {  	s30 =	sld [smem:$0x0];
	_ =	sdelay $0x2  }
0xb8: {  	s31 =	sshll.u32 s1, $0xD;
	s1 =	sshrl.u32 s1, $0x2  }
0xb9: {  	s3 =	sand.u32 $0x4000, s31;
	s1 =	sadd.s32 s1, s30  }
0xba: {  	s0 =	sor.u32 s3, s0;
	s1 =	sshll.u32 s1, $0x11  }
0xbb: {  	s0 =	sor.u32 s1, s0  }
0xbc: {  	s0 =	sadd.s32 $0x8F2B, s0  }
0xbd: {  	[sflag:s0] =	ssyncadd.remote.s32 $0x1  }
0xbe: {  	_ =	sfence.sel $0xFFFF  }
0xbf: {  	[dreg:$0x0] =	wrdreg $0xFFFFFFFF;
	(pc) =	sbr.abs _section_cstart, $3  }
0xc0: {  	[dreg:$0x1] =	wrdreg $0xFFFFFFFF  }
0xc1: {  	_ =	task.clear_ibuf [dreg:s7], $0x2FFFF;
	_ =	strace $0x9FFFFFFF  }
0xc2: {  	(tm) =	ssettm $0x7FFFFFFF  }
0xc3: {  	_ =	shalt  }
tec
execute0_lowered:
.L_overlay_start_1:
0x0: {  	(tag) =	ssettag $0x1  }
0x1: {  	s1 =	rddreg [dreg:$0x0]  }
0x2: {  	s8 =	rddreg [dreg:$0x1]  }
0x3: {  	s0 =	rddreg [dreg:$0x2]  }
0x4: {  	s2 =	simm.s32 $0x0;
	s3 =	srdreg.scid;
	s4 =	stileid.u32  }
0x5: {  	s11 =	simm.s32 $0x1500;
	s12 =	simm.s32 $0x4;
	s13 =	simm.s32 $0x380  }
0x6: {  	s14 =	simm.s32 $0x700;
	s15 =	simm.s32 $0xA80;
	s16 =	simm.s32 $0xE00  }
0x7: {  	s17 =	simm.s32 $0x1180;
	s18 =	simm.s32 $0x1;
	s19 =	simm.s32 $0x2  }
.Ltmp0:
0x8: {  	s20 =	simm.s32 $0x3;
	s3 =	sand.u32 $0x1, s3;
	(pc) =	sbr.rel .LBB2_1-.Ltmp0, $4  }
0x9: {  	s21 =	simm.s32 $0x0;
	[smem:$0x7FF] =	sst s2;
	s9 =	ssub.s32 $0x2, s3  }
0xa: {  	s5 =	sadd.s32 $0xCA00, s8;
	s6 =	sadd.s32 $0x7A00, s8;
	s10 =	sshrl.u32 s9, $0x1  }
0xb: {  	s7 =	sadd.s32 $0x11A00, s8;
	s8 =	sadd.s32 $0x15600, s8;
	s10 =	ssub.s32 s9, s10  }
0xc: {  	_ =	strace $0x80000047;
	s9 =	sshll.u32 s4, $0x1;
	s10 =	smax.u32 s10, $0x1  }
.LBB2_11:
0xd: {  	s21 =	sadd.s32 $0x1, s21  }
0xe: {  	p0 =	sne.s32 s21, s10  }
.Ltmp1:
0xf: {  	_ = 	snop;
	(pc) =	sbr.rel @!p0 .LBB2_12-.Ltmp1, $1  }
0x10: {  	_ =	sdelay $0x3  }
.LBB2_1:
.Ltmp2:
0x11: {  	(pc) =	sbr.rel .LBB2_2-.Ltmp2, $2  }
0x12: {  	_ =	sdelay $0x2  }
0x13: {  	p1 =	por $0x1, $0x1;
	s22 =	simm.s32 $0x0  }
.LBB2_10:
.Ltmp3:
0x14: {  	(pc) =	sbr.rel @!p0 .LBB2_11-.Ltmp3, $2  }
0x15: {  	_ =	sdelay $0x2  }
0x16: {  	s22 =	simm.s32 $0x20;
	p1 =	por $0x0, $0x0  }
.LBB2_2:
0x17: {  	s23 =	sor.u32 s9, s22  }
0x18: {  	p2 =	sgt.u32 s23, $0x37  }
.Ltmp4:
0x19: {  	_ = 	snop;
	(pc) =	sbr.rel @p2 .LBB2_10-.Ltmp4, $2  }
0x1a: {  	_ =	sdelay $0x2  }
0x1b: {  	p0 =	por p1, p1  }
0x1c: {  	s22 =	simm.s32 $0x0  }
0x1d: {  	[tilespmem:s11], [sflag:$0x4] =	stream.linear.gather [hbm4b:s7+s22], $0x1E000, $0x38;
	[tilespmem:$0x1F500] =	vst v63  }
0x1e: {  	_ =	swait.ge [sflag:s12], $0x1E000  }
0x1f: {  	[sflag:s12] =	ssyncset.done $0x0  }
0x20: {  	s23 =	sor.u32 s3, s23;
	[sflag:s12] =	ssyncadd.s32 $0xFFFE2000  }
0x21: {  	[tilespmem:s22], [sflag:$0x1] =	stream.linear.gather [hbm4b:s1+s22], $0x320, $0x38;
	[tilespmem:$0x1F500] =	vst v63  }
0x22: {  	s23 =	smul.u32 $0x60, s23  }
0x23: {  	[tilespmem:s13], [sflag:$0x1] =	stream.linear.gather [hbm4b:s5+s22], $0x320, $0x38;
	[tilespmem:$0x1F500] =	vst v63  }
0x24: {  	s24 =	simm.s32 $0x0  }
0x25: {  	v0 =	vmov s23;
	[tilespmem:s14], [sflag:$0x1] =	stream.linear.gather [hbm4b:s6+s22], $0x320, $0x38;
	[tilespmem:$0x1F500] =	vst v63  }
.LBB2_4:
0x26: {  	s25 =	smul.u32 $0x640, s24;
	_ =	sdelay $0x1  }
0x27: {  	s26 =	sshrl.u32 s25, $0x3  }
0x28: {  	s26 =	sadd.s32 $0x64, s26  }
0x29: {  	s28 =	sadd.s32 s1, s26  }
0x2a: {  	[tilespmem:s15], [sflag:$0x2] =	stream.linear.gather [hbm4b:s28+s22], $0x320, $0x38;
	[tilespmem:$0x1F500] =	vst v63  }
0x2b: {  	s28 =	sadd.s32 s5, s26  }
0x2c: {  	[tilespmem:s16], [sflag:$0x2] =	stream.linear.gather [hbm4b:s28+s22], $0x320, $0x38;
	[tilespmem:$0x1F500] =	vst v63  }
0x2d: {  	s26 =	sadd.s32 s6, s26  }
0x2e: {  	[tilespmem:s17], [sflag:$0x2] =	stream.linear.gather [hbm4b:s26+s22], $0x320, $0x38;
	[tilespmem:$0x1F500] =	vst v63  }
0x2f: {  	_ =	swait.ge [sflag:s18], $0x320  }
0x30: {  	[sflag:s18] =	ssyncset.done $0x0  }
0x31: {  	[sflag:s18] =	ssyncadd.s32 $0xFFFFFCE0  }
0x32: {  	_ =	swait.ge [sflag:s18], $0x320  }
0x33: {  	[sflag:s18] =	ssyncset.done $0x0  }
0x34: {  	[sflag:s18] =	ssyncadd.s32 $0xFFFFFCE0  }
0x35: {  	_ =	swait.ge [sflag:s18], $0x320  }
0x36: {  	[sflag:s18] =	ssyncset.done $0x0  }
0x37: {  	s28 =	simm.s32 $0x40;
	s26 =	simm.s32 $0x0;
	[sflag:s18] =	ssyncadd.s32 $0xFFFFFCE0  }
.LBB2_5:
0x38: {  	p1 =	sne.s32 s28, $0xC40;
	v1 =	vld [tilespmem:s26+$0x0];
	_ =	sdelay $0x1  }
0x39: {  	v2 =	vld [tilespmem:s26+$0x380];
	_ =	sdelay $0x2  }
0x3a: {  	v3 =	vsub.s32 v1, v0  }
0x3b: {  	v4 =	vshrl.u32 v3, $0x3  }
0x3c: {  	v4 =	vmul.u32 $0x2800, v4;
	v5 =	vshll.u32 v2, $0x3  }
0x3d: {  	v1 =	vshll.u32 v1, $0x7;
	v5 =	vand.u32 $0xFFFFFC00, v5  }
0x3e: {  	v1 =	vand.u32 $0x380, v1;
	v4 =	vadd.s32 v5, v4  }
0x3f: {  	vm0 =	vlt.u32 v3, $0x60;
	v2 =	vand.u32 $0x7F, v2;
	v1 =	vor.u32 v1, v4  }
0x40: {  	v3 =	vld [tilespmem:s26+$0x700];
	v1 =	vor.u32 v2, v1  }
.Ltmp5:
0x41: {  	(pc) =	sbr.rel @p1 .LBB2_5-.Ltmp5, $2  }
0x42: {  	_ =	sdelay $0x2  }
0x43: {  	s26 =	sshra.s32 s28, $0x2;
	s28 =	sadd.s32 $0x40, s28;
	[tilespmem:v1+s11+$0x0] =	vst.idx.add.s32.msk vm0, v3  }
0x44: {  	v1 =	vld [tilespmem:s26+$0x0];
	_ =	sdelay $0x1  }
0x45: {  	v2 =	vld [tilespmem:s26+$0x380];
	_ =	sdelay $0x2  }
0x46: {  	v3 =	vsub.s32 v1, v0  }
0x47: {  	v4 =	vshrl.u32 v3, $0x3  }
0x48: {  	v5 =	vshll.u32 v2, $0x3;
	v4 =	vmul.u32 $0x2800, v4  }
0x49: {  	v1 =	vshll.u32 v1, $0x7;
	v5 =	vand.u32 $0xFFFFFC00, v5  }
0x4a: {  	v1 =	vand.u32 $0x380, v1;
	v4 =	vadd.s32 v5, v4  }
0x4b: {  	v2 =	vand.u32 $0x7F, v2;
	vm0 =	vlt.u32 v3, $0x60;
	v1 =	vor.u32 v1, v4  }
0x4c: {  	v3 =	vld [tilespmem:s26+$0x700];
	v1 =	vor.u32 v2, v1;
	_ =	sdelay $0x1  }
0x4d: {  	p1 =	seq.s32 s24, $0x63  }
0x4e: {  	s25 =	sshrl.u32 @!p1 s25, $0x3  }
0x4f: {  	s25 =	sadd.s32 @!p1 $0xC8, s25  }
0x50: {  	s28 =	simm.s32 @!p1 $0x0;
	s26 =	sadd.s32 @!p1 s1, s25;
	[tilespmem:v1+s11+$0x0] =	vst.idx.add.s32.msk vm0, v3  }
0x51: {  	[tilespmem:s28], [sflag:$0x1] =	stream.linear.gather @!p1 [hbm4b:s26+s28], $0x320, $0x38;
	[tilespmem:$0x1F500] =	vst v63  }
0x52: {  	s29 =	simm.s32 @!p1 $0x380;
	s26 =	sadd.s32 @!p1 s5, s25  }
0x53: {  	[tilespmem:s29], [sflag:$0x1] =	stream.linear.gather @!p1 [hbm4b:s26+s28], $0x320, $0x38;
	[tilespmem:$0x1F500] =	vst v63  }
0x54: {  	s25 =	sadd.s32 @!p1 s6, s25;
	s26 =	simm.s32 @!p1 $0x700  }
0x55: {  	[tilespmem:s26], [sflag:$0x1] =	stream.linear.gather @!p1 [hbm4b:s25+s28], $0x320, $0x38;
	[tilespmem:$0x1F500] =	vst v63  }
0x56: {  	_ =	swait.ge [sflag:s19], $0x320  }
0x57: {  	[sflag:s19] =	ssyncset.done $0x0  }
0x58: {  	[sflag:s19] =	ssyncadd.s32 $0xFFFFFCE0  }
0x59: {  	_ =	swait.ge [sflag:s19], $0x320  }
0x5a: {  	[sflag:s19] =	ssyncset.done $0x0  }
0x5b: {  	[sflag:s19] =	ssyncadd.s32 $0xFFFFFCE0  }
0x5c: {  	_ =	swait.ge [sflag:s19], $0x320  }
0x5d: {  	[sflag:s19] =	ssyncset.done $0x0  }
0x5e: {  	s25 =	simm.s32 $0x0;
	s26 =	simm.s32 $0x40;
	[sflag:s19] =	ssyncadd.s32 $0xFFFFFCE0  }
.LBB2_7:
0x5f: {  	p1 =	sne.s32 s26, $0xC40;
	v1 =	vld [tilespmem:s25+$0xA80];
	_ =	sdelay $0x1  }
0x60: {  	v2 =	vld [tilespmem:s25+$0xE00];
	_ =	sdelay $0x2  }
0x61: {  	v3 =	vsub.s32 v1, v0  }
0x62: {  	v4 =	vshrl.u32 v3, $0x3  }
0x63: {  	v4 =	vmul.u32 $0x2800, v4;
	v5 =	vshll.u32 v2, $0x3  }
0x64: {  	v1 =	vshll.u32 v1, $0x7;
	v5 =	vand.u32 $0xFFFFFC00, v5  }
0x65: {  	v1 =	vand.u32 $0x380, v1;
	v4 =	vadd.s32 v5, v4  }
0x66: {  	vm0 =	vlt.u32 v3, $0x60;
	v2 =	vand.u32 $0x7F, v2;
	v1 =	vor.u32 v1, v4  }
0x67: {  	v3 =	vld [tilespmem:s25+$0x1180];
	v1 =	vor.u32 v2, v1  }
.Ltmp6:
0x68: {  	(pc) =	sbr.rel @p1 .LBB2_7-.Ltmp6, $2  }
0x69: {  	_ =	sdelay $0x2  }
0x6a: {  	s25 =	sshra.s32 s26, $0x2;
	s26 =	sadd.s32 $0x40, s26;
	[tilespmem:v1+s11+$0x0] =	vst.idx.add.s32.msk vm0, v3  }
0x6b: {  	v1 =	vld [tilespmem:s25+$0xA80];
	_ =	sdelay $0x1  }
0x6c: {  	v2 =	vld [tilespmem:s25+$0xE00];
	_ =	sdelay $0x2  }
0x6d: {  	v3 =	vsub.s32 v1, v0  }
0x6e: {  	v4 =	vshrl.u32 v3, $0x3  }
0x6f: {  	v5 =	vshll.u32 v2, $0x3;
	v4 =	vmul.u32 $0x2800, v4  }
0x70: {  	v1 =	vshll.u32 v1, $0x7;
	v5 =	vand.u32 $0xFFFFFC00, v5  }
0x71: {  	v1 =	vand.u32 $0x380, v1;
	v4 =	vadd.s32 v5, v4  }
0x72: {  	s24 =	sadd.s32 $0x1, s24;
	v2 =	vand.u32 $0x7F, v2;
	vm0 =	vlt.u32 v3, $0x60;
	v1 =	vor.u32 v1, v4  }
0x73: {  	p1 =	sne.s32 s24, $0x64;
	v3 =	vld [tilespmem:s25+$0x1180];
	v1 =	vor.u32 v2, v1  }
.Ltmp7:
0x74: {  	_ = 	snop;
	(pc) =	sbr.rel @p1 .LBB2_4-.Ltmp7, $2  }
0x75: {  	_ =	sdelay $0x2  }
0x76: {  	[tilespmem:v1+s11+$0x0] =	vst.idx.add.s32.msk vm0, v3  }
0x77: {  	s22 =	sshrl.u32 s23, $0x3  }
0x78: {  	s22 =	smul.u32 $0x500, s22;
	_ =	sdelay $0x1  }
.Ltmp8:
0x79: {  	s22 =	sadd.s32 s8, s22;
	(pc) =	sbr.rel .LBB2_10-.Ltmp8, $4  }
0x7a: {  	[hbm4b:s22+s2] =	stream.linear.scatter [tilespmem:s11], [sflag:$0x3], $0x1E000, $0x38;
	[tilespmem:$0x1F500] =	vst v63  }
0x7b: {  	_ =	swait.ge [sflag:s20], $0x1E000  }
0x7c: {  	[sflag:s20] =	ssyncset.done $0x0  }
0x7d: {  	[sflag:s20] =	ssyncadd.s32 $0xFFFE2000  }
.LBB2_12:
0x7e: {  	_ =	sfence.sel $0x180000  }
0x7f: {  	[bflag:$0x0] =	sbarrier.arrive $0xFFFF  }
0x80: {  	p0 =	sne.s32 s4, $0x0;
	_ =	strace $0x90000047  }
0x81: {  	s0 =	sadd.s32 @!p0 $0x100000, s0;
	[bflag:$0x2] =	sbarrier.arrive $0xFFFF  }
0x82: {  	[sflag:s0] =	ssyncadd.tile.s32 @!p0 $0x1;
	_ =	shalt  }
.Lfunc_end2:
_tile_overlayer_lowered:
.L_overlay_start_2:
0x83: {  	(tag) =	ssettag $0x2  }
0x84: {  	s0 =	rddreg [dreg:$0x0];
	s2 =	stileid.u32  }
0x85: {  	s1 =	rddreg [dreg:$0x1];
	p0 =	sne.s32 s2, $0x0  }
0x86: {  	s3 =	rddreg [dreg:$0x2];
	[bflag:$0x3] =	sbarrier.arrive $0xFFFF;
	s2 =	simm.s32 @!p0 $0x1C03  }
0x87: {  	[timem:s3], [sflag:s2] =	dma.local @!p0 [hbm:s0], s1  }
0x88: {  	s0 =	simm.s32 @!p0 $0x3  }
0x89: {  	_ =	swait.ge @!p0 [sflag:s0], s1  }
0x8a: {  	s1 =	ssub.s32 @!p0 $0x0, s1;
	[sflag:s0] =	ssyncset.done @!p0 $0x0  }
0x8b: {  	[sflag:s0] =	ssyncadd.s32 @!p0 s1  }
0x8c: {  	[bflag:$0x3] =	sbarrier.arrive $0xFFFF  }
0x8d: {  	_ =	shalt  }

// kernel: kernel.15.cloned.1.call-start
scs
__scs_entry_jumppad:
0x0: {  	(pc) =	sbr.rel $0x88, $3  }
0x1: {  	(tag) =	ssettag $0x0;
	lr =	simm.s32 $0x1  }
0x2: {  	[smem:$0x3F94] =	sst lr;
	_ =	strace $0xD0000000  }
0x3: {  	_ = 	snop  }
0x4: {  	_ = 	snop  }
0x5: {  	_ = 	snop  }
0x6: {  	_ = 	snop  }
0x7: {  	_ = 	snop  }
__scs_overlays_trampoline_lowered:
0x8: {  	[smem:$0x3FA3] =	sst s0  }
0x9: {  	[smem:$0x3FA4] =	sst s1  }
0xa: {  	[smem:$0x3FA5] =	sst s2  }
0xb: {  	[smem:$0x3FA6] =	sst s3  }
0xc: {  	[smem:$0x3FA7] =	sst s4  }
0xd: {  	[smem:$0x3FA8] =	sst s5  }
0xe: {  	[smem:$0x3FA9] =	sst s6  }
0xf: {  	[smem:$0x3FAA] =	sst s7  }
0x10: {  	[smem:$0x3FAB] =	sst s8  }
0x11: {  	[smem:$0x3FAC] =	sst s9;
	s0 =	simm.s32 @!p0 $0x0  }
0x12: {  	s1 =	sld [smem:$0x3F92];
	s0 =	simm.s32 @p0 $0x1  }
0x13: {  	[smem:$0x3FAD] =	sst s0;
	s0 =	simm.s32 @!p1 $0x0  }
0x14: {  	s2 =	sld [smem:$0x3F91];
	s0 =	simm.s32 @p1 $0x1  }
0x15: {  	[smem:$0x3FAE] =	sst s0;
	s0 =	simm.s32 @!p2 $0x0  }
0x16: {  	s3 =	sld [smem:$0x3FDB];
	s0 =	simm.s32 @p2 $0x1  }
0x17: {  	s4 =	simm.s32 $0x1BF5;
	[smem:$0x3FB0] =	sst s0  }
0x18: {  	s0 =	sld [smem:$0x3F93];
	_ =	swait.ge [sflag:s4], $0x0  }
0x19: {  	s7 =	sld [smem:$0x3F94]  }
0x1a: {  	s8 =	sadd.s32 $0xFFFFE003, lr  }
0x1b: {  	s9 =	sadd.s32 $0xFFFFFEF7, lr;
	s5 =	simm.s32 $0xFFFFFFFF;
	p2 =	slt.u32 s8, $0xFFFFF086  }
0x1c: {  	p1 =	slt.u32 s9, $0xF7A;
	s5 =	simm.s32 @!p2 $0x0  }
0x1d: {  	s5 =	simm.s32 @p1 $0x1;
	p0 =	seq.s32 s7, s2  }
0x1e: {  	s7 =	smul.u32 @!p0 $0xF7A, s2;
	p2 =	seq.s32 @!p0 s5, $0x0  }
0x1f: {  	s9 =	smul.u32 $0xF7A, s1;
	s8 =	simm.s32 @!p0 $0x1BF5;
	p2 =	por !p2, p0  }
0x20: {  	[sflag:s8] =	ssyncset.s32 @!p0 $0xFFFFF086;
	s6 =	sadd.s32 @!p0 s3, s7;
	s7 =	simm.s32 @!p0 $0x108  }
0x21: {  	s3 =	sadd.s32 s3, s9;
	s6 =	sadd.s32 @!p0 $0x88, s6;
	s7 =	simm.s32 @p2 $0x1082  }
0x22: {  	[simem:s7], [sflag:s8] =	dma.local @!p0 [hbm:s6], $0xF7A  }
0x23: {  	s9 =	sor.u32 $0xD0000000, s2;
	s6 =	simm.s32 $0x108;
	_ =	swait.ge @!p0 [sflag:s8], $0x0  }
0x24: {  	s3 =	sadd.s32 $0x88, s3;
	s6 =	simm.s32 @!p1 $0x1082;
	[sflag:s4] =	ssyncset.s32 $0xFFFFF086  }
0x25: {  	[simem:s6], [sflag:s4] =	dma.local [hbm:s3], $0xF7A  }
0x26: {  	[smem:$0x3F94] =	sst s1;
	(tag) =	ssettag s2;
	_ =	strace s9  }
0x27: {  	s1 =	sld [smem:$0x3FA4]  }
0x28: {  	s2 =	sld [smem:$0x3FA5]  }
0x29: {  	s4 =	sld [smem:$0x3FA7]  }
0x2a: {  	p0 =	seq.s32 s5, $0x0;
	s5 =	sld [smem:$0x3FA8]  }
0x2b: {  	s6 =	sld [smem:$0x3FA9]  }
0x2c: {  	s7 =	sld [smem:$0x3FAA]  }
0x2d: {  	s3 =	simm.s32 $0x108;
	s8 =	sld [smem:$0x3FAB]  }
0x2e: {  	s3 =	simm.s32 @!p0 $0x1082;
	s9 =	sld [smem:$0x3FAC]  }
0x2f: {  	lr =	sadd.s32 s0, s3;
	s0 =	sld [smem:$0x3FA3]  }
0x30: {  	s3 =	sld [smem:$0x3FA6]  }
0x31: {  	[smem:$0x3FAF] =	sst s10  }
0x32: {  	s10 =	sld [smem:$0x3FAD];
	_ =	sdelay $0x3  }
0x33: {  	p0 =	seq.s32 s10, $0x1;
	s10 =	sld [smem:$0x3FAF];
	_ =	sdelay $0x3  }
0x34: {  	[smem:$0x3FAF] =	sst s10  }
0x35: {  	s10 =	sld [smem:$0x3FAE];
	_ =	sdelay $0x3  }
0x36: {  	p1 =	seq.s32 s10, $0x1;
	s10 =	sld [smem:$0x3FAF];
	_ =	sdelay $0x3  }
0x37: {  	[smem:$0x3FAF] =	sst s10  }
0x38: {  	s10 =	sld [smem:$0x3FB0]  }
0x39: {  	_ = 	snop;
	(pc) =	sbr.ind lr, $3  }
0x3a: {  	_ = 	snop  }
0x3b: {  	_ = 	snop  }
0x3c: {  	p2 =	seq.s32 s10, $0x1;
	s10 =	sld [smem:$0x3FAF]  }
0x3d: {  	_ =	shalt  }
0x3e: {  	_ =	shalt  }
0x3f: {  	_ =	shalt  }
0x40: {  	_ =	shalt  }
0x41: {  	_ =	shalt  }
0x42: {  	_ =	shalt  }
0x43: {  	_ =	shalt  }
0x44: {  	_ =	shalt  }
0x45: {  	_ =	shalt  }
0x46: {  	_ =	shalt  }
0x47: {  	_ =	shalt  }
0x48: {  	_ =	shalt  }
0x49: {  	_ =	shalt  }
0x4a: {  	_ =	shalt  }
0x4b: {  	_ =	shalt  }
0x4c: {  	_ =	shalt  }
0x4d: {  	_ =	shalt  }
0x4e: {  	_ =	shalt  }
0x4f: {  	_ =	shalt  }
0x50: {  	_ =	shalt  }
0x51: {  	_ =	shalt  }
0x52: {  	_ =	shalt  }
0x53: {  	_ =	shalt  }
0x54: {  	_ =	shalt  }
0x55: {  	_ =	shalt  }
0x56: {  	_ =	shalt  }
0x57: {  	_ =	shalt  }
0x58: {  	_ =	shalt  }
0x59: {  	_ =	shalt  }
0x5a: {  	_ =	shalt  }
0x5b: {  	_ =	shalt  }
0x5c: {  	_ =	shalt  }
0x5d: {  	_ =	shalt  }
0x5e: {  	_ =	shalt  }
0x5f: {  	_ =	shalt  }
0x60: {  	_ =	shalt  }
0x61: {  	_ =	shalt  }
0x62: {  	_ =	shalt  }
0x63: {  	_ =	shalt  }
0x64: {  	_ =	shalt  }
0x65: {  	_ =	shalt  }
0x66: {  	_ =	shalt  }
0x67: {  	_ =	shalt  }
0x68: {  	_ =	shalt  }
0x69: {  	_ =	shalt  }
0x6a: {  	_ =	shalt  }
0x6b: {  	_ =	shalt  }
0x6c: {  	_ =	shalt  }
0x6d: {  	_ =	shalt  }
0x6e: {  	_ =	shalt  }
0x6f: {  	_ =	shalt  }
0x70: {  	_ =	shalt  }
0x71: {  	_ =	shalt  }
0x72: {  	_ =	shalt  }
0x73: {  	_ =	shalt  }
0x74: {  	_ =	shalt  }
0x75: {  	_ =	shalt  }
0x76: {  	_ =	shalt  }
0x77: {  	_ =	shalt  }
0x78: {  	_ =	shalt  }
0x79: {  	_ =	shalt  }
0x7a: {  	_ =	shalt  }
0x7b: {  	_ =	shalt  }
0x7c: {  	_ =	shalt  }
0x7d: {  	_ =	shalt  }
0x7e: {  	_ =	shalt  }
0x7f: {  	_ =	shalt  }
0x80: {  	_ =	shalt  }
0x81: {  	_ =	shalt  }
0x82: {  	_ =	shalt  }
0x83: {  	_ =	shalt  }
0x84: {  	_ =	shalt  }
0x85: {  	_ =	shalt  }
0x86: {  	_ =	shalt  }
0x87: {  	_ =	shalt  }
.Lfunc_end0:
.L_simem_size_0:
called_computation.1_lowered:
.L_overlay_start_0:
0x88: {  	s2 =	sld [smem:$0x3FD9]  }
0x89: {  	s3 =	sld [smem:$0x3FFE];
	_ =	sdelay $0x1  }
0x8a: {  	s1 =	srdreg.scid  }
0x8b: {  	s0 =	sand.u32 $0x1, s1  }
0x8c: {  	s17 =	sshll.u32 s0, $0xA;
	s2 =	sadd.s32 s3, s2  }
0x8d: {  	s2 =	sadd.s32 s2, s17  }
0x8e: {  	[smem:$0x3FBB] =	sst s2  }
0x8f: {  	_ = 	snop  }
0x90: {  	s2 =	sld [smem:$0x3FD0];
	(tm) =	ssettm $0x1  }
0x91: {  	s18 =	sld [smem:$0x3FFB];
	_ =	sdelay $0x3  }
0x92: {  	_ =	strace s18  }
0x93: {  	s3 =	sld [smem:$0x3FFC];
	_ =	sdelay $0x3  }
0x94: {  	_ =	strace s3  }
0x95: {  	s3 =	sld [smem:$0x3FFD];
	_ =	sdelay $0x3  }
0x96: {  	_ =	strace s3  }
0x97: {  	_ =	strace $0x8FFFFFFF  }
0x98: {  	s19 =	sld [smem:$0x3FDB];
	_ =	sdelay $0x1  }
0x99: {  	s4 =	simm.s32 $_scs_section_size  }
0x9a: {  	s5 =	simm.s32 $_size__tile_overlayer_lowered;
	s6 =	simm.s32 $_tile_overlayer_lowered  }
0x9b: {  	s22 =	simm.s32 $0x1BFF;
	s21 =	sshll.u32 s6, $0x1;
	s3 =	sadd.s32 s4, s19  }
0x9c: {  	s7 =	simm.s32 $0x0;
	s20 =	sshll.u32 s5, $0x1;
	s5 =	sadd.s32 s21, s3  }
0x9d: {  	[timem:s7], [sflag:s22] =	dma.local [hbm:s5], s20  }
0x9e: {  	_ =	swait.ge [sflag:s22], s20  }
0x9f: {  	s4 =	ssub.s32 $0x0, s20;
	[sflag:s22] =	ssyncset.done $0x0  }
0xa0: {  	[sflag:s22] =	ssyncadd.s32 s4;
	_ =	sdelay $0x1  }
0xa1: {  	s23 =	simm.s32 $0x1B8B  }
0xa2: {  	_ =	swait.ge [sflag:s23], $0x1  }
0xa3: {  	[sflag:s23] =	ssyncset.done $0x0  }
0xa4: {  	s25 =	simm.s32 $0x1B8E;
	s24 =	sld [smem:$0x3FFE];
	[sflag:s23] =	ssyncadd.s32 $0xFFFFFFFF  }
0xa5: {  	s26 =	simm.s32 $execute0_lowered;
	[smem:$0x3FD2] =	sst s25  }
0xa6: {  	s5 =	sshll.u32 s26, $0x1;
	_ =	strace $0x80000049;
	[dreg:$0x1] =	wrdreg $0xFFFFFFFF  }
0xa7: {  	s28 =	simm.s32 $_size_execute0_lowered;
	s3 =	sadd.s32 s3, s5;
	[dreg:$0x0] =	wrdreg $0x0  }
0xa8: {  	s5 =	sshll.u32 s28, $0x1;
	[dreg:$0x2] =	wrdreg s3  }
0xa9: {  	[dreg:$0x3] =	wrdreg s5  }
0xaa: {  	[dreg:$0x4] =	wrdreg $0xC0  }
0xab: {  	_ =	task [dreg:s7], $0x5FFFF  }
0xac: {  	[dreg:$0x1] =	wrdreg $0xFFFFFFFF  }
0xad: {  	[dreg:$0x0] =	wrdreg $0x60  }
0xae: {  	[dreg:$0x2] =	wrdreg s24  }
0xaf: {  	[dreg:$0x3] =	wrdreg s2  }
0xb0: {  	[dreg:$0x4] =	wrdreg $0x9  }
0xb1: {  	_ =	task.clear_ibuf [dreg:s7], $0x5FFFF;
	_ =	strace $0x90000049  }
0xb2: {  	s29 =	simm.s32 $0x9;
	_ =	strace $0x8000004B  }
0xb3: {  	_ =	swait.ge [sflag:s29], $0x1  }
0xb4: {  	[sflag:s29] =	ssyncadd.s32 $0xFFFFFFFF  }
0xb5: {  	_ =	strace $0x9000004B  }
0xb6: {  	_ =	sfence  }
0xb7: {  	s30 =	sld [smem:$0x0];
	_ =	sdelay $0x2  }
0xb8: {  	s31 =	sshll.u32 s1, $0xD;
	s1 =	sshrl.u32 s1, $0x2  }
0xb9: {  	s3 =	sand.u32 $0x4000, s31;
	s1 =	sadd.s32 s1, s30  }
0xba: {  	s0 =	sor.u32 s3, s0;
	s1 =	sshll.u32 s1, $0x11  }
0xbb: {  	s0 =	sor.u32 s1, s0  }
0xbc: {  	s0 =	sadd.s32 $0x8F2B, s0  }
0xbd: {  	[sflag:s0] =	ssyncadd.remote.s32 $0x1  }
0xbe: {  	_ =	sfence.sel $0xFFFF  }
0xbf: {  	[dreg:$0x0] =	wrdreg $0xFFFFFFFF;
	(pc) =	sbr.abs _section_cstart, $3  }
0xc0: {  	[dreg:$0x1] =	wrdreg $0xFFFFFFFF  }
0xc1: {  	_ =	task.clear_ibuf [dreg:s7], $0x2FFFF;
	_ =	strace $0x9FFFFFFF  }
0xc2: {  	(tm) =	ssettm $0x7FFFFFFF  }
0xc3: {  	_ =	shalt  }
tec
execute0_lowered:
.L_overlay_start_1:
0x0: {  	(tag) =	ssettag $0x1  }
0x1: {  	s5 =	rddreg [dreg:$0x0]  }
0x2: {  	s1 =	rddreg [dreg:$0x1]  }
0x3: {  	s0 =	rddreg [dreg:$0x2];
	s2 =	simm.s32 $0x0  }
0x4: {  	s3 =	srdreg.scid;
	s10 =	simm.s32 $0x2;
	s11 =	simm.s32 $0x1  }
.Ltmp0:
0x5: {  	s12 =	simm.s32 $0x5200;
	s3 =	sand.u32 $0x1, s3;
	(pc) =	sbr.rel .LBB2_1-.Ltmp0, $4  }
0x6: {  	v0 =	vlaneseq.u32;
	s13 =	simm.s32 $0x0;
	[smem:$0x7FF] =	sst s2;
	s8 =	ssub.s32 $0x2, s3  }
0x7: {  	s4 =	sadd.s32 $0x7A00, s5;
	s6 =	sadd.s32 $0x2A00, s5;
	v0 =	vmul.u32 $0x2, v0;
	s9 =	sshrl.u32 s8, $0x1  }
0x8: {  	s7 =	sadd.s32 $0x8400, s5;
	s5 =	stileid.u32;
	s9 =	ssub.s32 s8, s9  }
0x9: {  	_ =	strace $0x8000004A;
	v1 =	vor.u32 $0x1, v0;
	s8 =	sshll.u32 s5, $0x1;
	s9 =	smax.u32 s9, $0x1  }
.LBB2_7:
0xa: {  	s13 =	sadd.s32 $0x1, s13  }
0xb: {  	p0 =	sne.s32 s13, s9  }
.Ltmp1:
0xc: {  	_ = 	snop;
	(pc) =	sbr.rel @!p0 .LBB2_8-.Ltmp1, $1  }
0xd: {  	_ =	sdelay $0x3  }
.LBB2_1:
.Ltmp2:
0xe: {  	(pc) =	sbr.rel .LBB2_2-.Ltmp2, $4  }
0xf: {  	[tilespmem:s2], [sflag:$0x2] =	stream.linear.gather [hbm4b:s4+s2], $0x5000, $0x38;
	[tilespmem:$0x5400] =	vst v63  }
0x10: {  	_ =	swait.ge [sflag:s10], $0x5000  }
0x11: {  	[sflag:s10] =	ssyncset.done $0x0  }
0x12: {  	s14 =	simm.s32 $0x0;
	[sflag:s10] =	ssyncadd.s32 $0xFFFFB000  }
.LBB2_6:
0x13: {  	s14 =	sadd.s32 $0x1, s14  }
0x14: {  	p0 =	sne.s32 s14, $0x14  }
.Ltmp3:
0x15: {  	_ = 	snop;
	(pc) =	sbr.rel @!p0 .LBB2_7-.Ltmp3, $1  }
0x16: {  	_ =	sdelay $0x3  }
.LBB2_2:
0x17: {  	s15 =	sshll.u32 s14, $0x5  }
0x18: {  	s15 =	sor.u32 s15, s8  }
0x19: {  	s15 =	sor.u32 s3, s15  }
0x1a: {  	p0 =	sgt.u32 s15, $0x270  }
.Ltmp4:
0x1b: {  	_ = 	snop;
	(pc) =	sbr.rel @p0 .LBB2_6-.Ltmp4, $1  }
0x1c: {  	_ =	sdelay $0x3  }
0x1d: {  	s18 =	sshll.u32 s15, $0x5  }
0x1e: {  	s16 =	simm.s32 $0x0;
	s17 =	simm.s32 $0x5000;
	s19 =	sadd.s32 s6, s18  }
0x1f: {  	[tilespmem:s17], [sflag:$0x1] =	stream.linear.gather [hbm4b:s19+s16], $0x100, $0x38;
	[tilespmem:$0x5400] =	vst v63  }
0x20: {  	s31 =	sadd.s32 s1, s18;
	s18 =	simm.s32 $0x5100  }
0x21: {  	[tilespmem:s18], [sflag:$0x1] =	stream.linear.gather [hbm4b:s31+s16], $0x100, $0x38;
	[tilespmem:$0x5400] =	vst v63  }
0x22: {  	_ =	swait.ge [sflag:s11], $0x100  }
0x23: {  	[sflag:s11] =	ssyncset.done $0x0  }
0x24: {  	[sflag:s11] =	ssyncadd.s32 $0xFFFFFF00  }
0x25: {  	_ =	swait.ge [sflag:s11], $0x100  }
0x26: {  	[sflag:s11] =	ssyncset.done $0x0  }
0x27: {  	[sflag:s11] =	ssyncadd.s32 $0xFFFFFF00  }
0x28: {  	v2 =	vld [tilespmem:s17+$0x0]  }
0x29: {  	v3 =	vld [tilespmem:s18+$0x0];
	_ =	sdelay $0x2  }
0x2a: {  	s19 =	simm.s32 $0x20  }
.LBB2_4:
0x2b: {  	p0 =	sne.s32 s19, $0x1E0;
	v4 =	vadd.s32 $0x1400, v2  }
0x2c: {  	v5 =	vadd.s32 $0x2800, v3  }
0x2d: {  	v3 =	vadd.s32 $0x3C00, v3;
	_ =	sdelay $0x1  }
0x2e: {  	v2 =	vld.idx.msk [tilespmem:v2+s2+$0x0], $0xffff  }
0x2f: {  	v4 =	vld.idx.msk [tilespmem:v4+s2+$0x0], $0xffff  }
0x30: {  	v5 =	vld.idx.msk [tilespmem:v5+s2+$0x0], $0xffff  }
0x31: {  	v3 =	vld.idx.msk [tilespmem:v3+s2+$0x0], $0xffff;
	_ =	sdelay $0x5  }
0x32: {  	v2 =	vadd.f32 v5, v2;
	v3 =	vadd.f32 v3, v4;
	_ =	sdelay $0x1  }
0x33: {  	v4 =	vmax.f32 v2, v3  }
0x34: {  	v2 =	vsub.f32 v2, v4  }
0x35: {  	v3 =	vsub.f32 v3, v4  }
0x36: {  	v2 =	vmul.f32 $1.442695020e+00, v2  }
0x37: {  	v3 =	vmul.f32 $1.442695020e+00, v3  }
0x38: {  	(erf) = vpow2.f32 v2  }
0x39: {  	(erf) = vpow2.f32 v3;
	_ =	sdelay $0x7  }
0x3a: {  	v2 =	vpop (erf)  }
0x3b: {  	v3 =	vpop (erf)  }
0x3c: {  	v4 =	vadd.f32 v3, v2;
	_ =	sdelay $0x1  }
0x3d: {  	(erf) = vrcp.f32 v4;
	_ =	sdelay $0x6  }
0x3e: {  	v4 =	vor.u32 s16, v0  }
0x3f: {  	v5 =	vor.u32 s16, v1;
	s16 =	smov.u32 s19  }
0x40: {  	v6 =	vpop (erf)  }
0x41: {  	v2 =	vmul.f32 v6, v2  }
0x42: {  	v3 =	vmul.f32 v6, v3  }
0x43: {  	[tilespmem:v4+s12+$0x0] =	vst.idx.msk $0xffff, v2  }
0x44: {  	s17 =	sadd.s32 $0x10, s17;
	[tilespmem:v5+s12+$0x0] =	vst.idx.msk $0xffff, v3  }
.Ltmp5:
0x45: {  	s18 =	sadd.s32 $0x10, s18;
	v2 =	vld [tilespmem:s17+$0x0];
	(pc) =	sbr.rel @p0 .LBB2_4-.Ltmp5, $2  }
0x46: {  	v3 =	vld [tilespmem:s18+$0x0];
	_ =	sdelay $0x2  }
0x47: {  	s19 =	sadd.s32 $0x20, s19  }
0x48: {  	v4 =	vadd.s32 $0x1400, v2  }
0x49: {  	v5 =	vadd.s32 $0x2800, v3  }
0x4a: {  	v3 =	vadd.s32 $0x3C00, v3;
	_ =	sdelay $0x1  }
0x4b: {  	v2 =	vld.idx.msk [tilespmem:v2+s2+$0x0], $0xffff  }
0x4c: {  	v4 =	vld.idx.msk [tilespmem:v4+s2+$0x0], $0xffff  }
0x4d: {  	v5 =	vld.idx.msk [tilespmem:v5+s2+$0x0], $0xffff  }
0x4e: {  	v3 =	vld.idx.msk [tilespmem:v3+s2+$0x0], $0xffff;
	_ =	sdelay $0x4  }
0x4f: {  	v2 =	vadd.f32 v5, v2;
	v3 =	vadd.f32 v3, v4;
	_ =	sdelay $0x1  }
0x50: {  	v4 =	vmax.f32 v2, v3  }
0x51: {  	v2 =	vsub.f32 v2, v4  }
0x52: {  	v3 =	vsub.f32 v3, v4  }
0x53: {  	v2 =	vmul.f32 $1.442695020e+00, v2  }
0x54: {  	v3 =	vmul.f32 $1.442695020e+00, v3  }
0x55: {  	(erf) = vpow2.f32 v2  }
0x56: {  	(erf) = vpow2.f32 v3;
	_ =	sdelay $0x7  }
0x57: {  	v2 =	vpop (erf)  }
0x58: {  	v3 =	vpop (erf)  }
0x59: {  	v61 =	vadd.f32 v3, v2;
	_ =	sdelay $0x1  }
0x5a: {  	(erf) = vrcp.f32 v61;
	_ =	sdelay $0x6  }
0x5b: {  	v62 =	vor.u32 s16, v0  }
0x5c: {  	v63 =	vor.u32 s16, v1  }
0x5d: {  	v6 =	vpop (erf)  }
0x5e: {  	v2 =	vmul.f32 v6, v2  }
0x5f: {  	v3 =	vmul.f32 v6, v3  }
0x60: {  	s15 =	sshll.u32 s15, $0x6;
	[tilespmem:v62+s12+$0x0] =	vst.idx.msk $0xffff, v2  }
.Ltmp6:
0x61: {  	s15 =	sadd.s32 s7, s15;
	[tilespmem:v63+s12+$0x0] =	vst.idx.msk $0xffff, v3;
	(pc) =	sbr.rel .LBB2_6-.Ltmp6, $4  }
0x62: {  	[hbm4b:s15+s2] =	stream.linear.scatter [tilespmem:s12], [sflag:$0x2], $0x200, $0x38;
	[tilespmem:$0x5400] =	vst v63  }
0x63: {  	_ =	swait.ge [sflag:s10], $0x200  }
0x64: {  	[sflag:s10] =	ssyncset.done $0x0  }
0x65: {  	[sflag:s10] =	ssyncadd.s32 $0xFFFFFE00  }
.LBB2_8:
0x66: {  	_ =	sfence.sel $0x180000  }
0x67: {  	[bflag:$0x0] =	sbarrier.arrive $0xFFFF  }
0x68: {  	p0 =	sne.s32 s5, $0x0;
	_ =	strace $0x9000004A  }
0x69: {  	s0 =	sadd.s32 @!p0 $0x100000, s0;
	[bflag:$0x2] =	sbarrier.arrive $0xFFFF  }
0x6a: {  	[sflag:s0] =	ssyncadd.tile.s32 @!p0 $0x1;
	_ =	shalt  }
.Lfunc_end2:
_tile_overlayer_lowered:
.L_overlay_start_2:
0x6b: {  	(tag) =	ssettag $0x2  }
0x6c: {  	s0 =	rddreg [dreg:$0x0];
	s2 =	stileid.u32  }
0x6d: {  	s1 =	rddreg [dreg:$0x1];
	p0 =	sne.s32 s2, $0x0  }
0x6e: {  	s3 =	rddreg [dreg:$0x2];
	[bflag:$0x3] =	sbarrier.arrive $0xFFFF;
	s2 =	simm.s32 @!p0 $0x1C02  }
0x6f: {  	[timem:s3], [sflag:s2] =	dma.local @!p0 [hbm:s0], s1  }
0x70: {  	s0 =	simm.s32 @!p0 $0x2  }
0x71: {  	_ =	swait.ge @!p0 [sflag:s0], s1  }
0x72: {  	s1 =	ssub.s32 @!p0 $0x0, s1;
	[sflag:s0] =	ssyncset.done @!p0 $0x0  }
0x73: {  	[sflag:s0] =	ssyncadd.s32 @!p0 s1  }
0x74: {  	[bflag:$0x3] =	sbarrier.arrive $0xFFFF  }
0x75: {  	_ =	shalt  }

</sc_bundles>
